<compile_context>
chip_gen: v7x
topology: tpu7x:2x2x1
jax: 0.10.2.dev20260603
libtpu: 0.0.44.dev20260713+nightly
codegen_flags: <defaults>
</compile_context>

<pallas_src>
import functools

import jax
import jax.numpy as jnp
from jax import lax
from jax.experimental import pallas as pl
from jax.experimental.pallas import tpu as pltpu
from jax.experimental.pallas import tpu_sc as plsc

H = 64
S = 200
LANES = 16
NC = 2
NS = 16
NW = NC * NS
CHUNK = 128
NBUF = 4


def _body(ids_hbm, table_hbm, pos_hbm, out_hbm,
          idx_v, rows_v, pos2_v, sem_i, sem_g, sem_o):
    wid = lax.axis_index("s") * NC + lax.axis_index("c")
    rows_per_w = ids_hbm.shape[0] // NW
    nchunk = rows_per_w // CHUNK
    ngroup = nchunk // NBUF
    base = wid * rows_per_w

    pltpu.sync_copy(pos_hbm, pos2_v.at[pl.ds(0, S)])
    pltpu.sync_copy(pos_hbm, pos2_v.at[pl.ds(S, S)])

    def idx_copy(c, b):
        return pltpu.make_async_copy(
            ids_hbm.at[pl.ds(base + c * CHUNK, CHUNK)], idx_v.at[b],
            sem_i.at[b])

    def out_copy(c, b):
        return pltpu.make_async_copy(
            rows_v.at[b], out_hbm.at[pl.ds(base + c * CHUNK, CHUNK)],
            sem_o.at[b])

    for b in range(NBUF):
        idx_copy(b, b).start()

    def group(g, _):
        c0 = g * NBUF
        for b in range(NBUF):

            @pl.when(g > 0)
            def _():
                out_copy(c0 + b, b).wait()

            idx_copy(c0 + b, b).wait()
            pltpu.make_async_copy(
                table_hbm.at[idx_v.at[b]], rows_v.at[b], sem_g.at[b]).start()

        for b in range(NBUF):
            c = c0 + b
            pltpu.make_async_copy(
                table_hbm.at[idx_v.at[b]], rows_v.at[b], sem_g.at[b]).wait()

            off = lax.rem(c * CHUNK, S)

            def add_row(i, _):
                for j in range(H // LANES):
                    sl = pl.ds(j * LANES, LANES)
                    plsc.addupdate(rows_v.at[b, i, sl], pos2_v[off + i, sl])
                return 0

            lax.fori_loop(0, CHUNK, add_row, 0)
            out_copy(c, b).start()

            @pl.when(g < ngroup - 1)
            def _():
                idx_copy(c + NBUF, b).start()

        return 0

    lax.fori_loop(0, ngroup, group, 0)


@jax.jit
def _sc_embed(ids_flat, item_table, pos_table):
    n = ids_flat.shape[0]
    mesh = plsc.VectorSubcoreMesh(core_axis_name="c", subcore_axis_name="s")
    kern = functools.partial(
        pl.kernel,
        out_type=jax.ShapeDtypeStruct((n, H), jnp.float32),
        mesh=mesh,
        scratch_types=[
            pltpu.VMEM((NBUF, CHUNK), jnp.int32),
            pltpu.VMEM((NBUF, CHUNK, H), jnp.float32),
            pltpu.VMEM((2 * S, H), jnp.float32),
            pltpu.SemaphoreType.DMA((NBUF,)),
            pltpu.SemaphoreType.DMA((NBUF,)),
            pltpu.SemaphoreType.DMA((NBUF,)),
        ],
        compiler_params=pltpu.CompilerParams(use_tc_tiling_on_sc=False),
    )(_body)
    return kern(ids_flat, item_table, pos_table)


def kernel(input_ids, item_table, pos_table):
    bsz, seq = input_ids.shape
    ids_flat = input_ids.reshape(-1).astype(jnp.int32)
    out = _sc_embed(ids_flat, item_table, pos_table)
    return out.reshape(bsz, seq, H)

# --- scband reference (transcript-rebuilt; emitter-appended) ---
"""Pipeline reference for scband-item-embedding-3083786519220 (READ-ONLY COPY).

The authoritative reference and input builder live on the scoring server;
editing this copy changes nothing except your own understanding.
"""

import jax, jax.numpy as jnp
import numpy as np

ITEM_SIZE = 1000000
HIDDEN_SIZE = 64
MAX_SEQ_LENGTH = 200
BATCH = 4096
SEQ_LEN = 200

def setup_inputs(seed: int = 0) -> dict:
    key = jax.random.key(seed)
    k1, k2, k3 = jax.random.split(key, 3)
    input_ids = jax.random.randint(k1, (BATCH, SEQ_LEN), 0, ITEM_SIZE, dtype=jnp.int64 if jax.config.jax_enable_x64 else jnp.int32)
    item_table = jax.random.normal(k2, (ITEM_SIZE, HIDDEN_SIZE), dtype=jnp.float32) * 0.02
    # padding_idx=0 -> row 0 is zeros
    item_table = item_table.at[0].set(0.0)
    pos_table = jax.random.normal(k3, (MAX_SEQ_LENGTH, HIDDEN_SIZE), dtype=jnp.float32) * 0.02
    return {"input_ids": input_ids, "item_table": item_table, "pos_table": pos_table}

def reference(input_ids, item_table, pos_table):
    # item embedding lookup: [B, S, H]
    item_emb = jnp.take(item_table, input_ids, axis=0)
    # positional embedding: [S, H]
    seq_length = input_ids.shape[1]
    position_ids = jnp.arange(seq_length)
    position_emb = jnp.take(pos_table, position_ids, axis=0)
    # broadcast add: [B, S, H] + [S, H]
    return item_emb + position_emb

if __name__ == "__main__":
    import jax
    _d = setup_inputs()
    print(jax.jit(kernel)(*tuple(_d.values())))

</pallas_src>

<mosaic_0001>
#map = affine_map<(d0, d1) -> (0)>
#map1 = affine_map<(d0, d1) -> (0, 0)>
module attributes {stable_mosaic.version = 14 : i64} {
  func.func @_body(%arg0: i32, %arg1: i32, %arg2: memref<819200xi32, #tpu.memory_space<hbm>>, %arg3: memref<1000000x64xf32, #tpu.memory_space<hbm>>, %arg4: memref<200x64xf32, #tpu.memory_space<hbm>>, %arg5: memref<819200x64xf32, #tpu.memory_space<hbm>>, %arg6: memref<4x128xi32, #tpu.memory_space<vmem>>, %arg7: memref<4x128x64xf32, #tpu.memory_space<vmem>>, %arg8: memref<400x64xf32, #tpu.memory_space<vmem>>, %arg9: memref<4x!tpu.dma_semaphore, #tpu.memory_space<semaphore_mem>>, %arg10: memref<4x!tpu.dma_semaphore, #tpu.memory_space<semaphore_mem>>, %arg11: memref<4x!tpu.dma_semaphore, #tpu.memory_space<semaphore_mem>>) attributes {dimension_semantics = [#tpu.dimension_semantics<core_parallel>, #tpu.dimension_semantics<subcore_parallel>], iteration_bounds = array<i64: 2, 16>, scalar_prefetch = 0 : i64, scratch_operands = 6 : i64, tpu.core_type = #tpu.core_type<sc_vector_subcore>, window_params = [{transform_indices = #map}, {transform_indices = #map1}, {transform_indices = #map1}, {transform_indices = #map1}]} {
    %mul3A = arith.constant 2 : i32
    %mul3A_0 = arith.muli %arg1, %mul3A : i32
    %add3A = arith.addi %mul3A_0, %arg0 : i32
    %mul3A_1 = arith.constant 25600 : i32
    %mul3A_2 = arith.muli %add3A, %mul3A_1 : i32
    "tpu.region"() ({
      %run_scoped3A = tpu.sem_alloc : memref<!tpu.dma_semaphore, #tpu.memory_space<semaphore_mem>>
      %dma_start3A_64 = arith.constant 0 : i32
      %dma_start3A_65 = arith.constant 0 : i32
      %dma_start3A_66 = tpu.memref_slice %arg8[%dma_start3A_64, %dma_start3A_65] : memref<400x64xf32, #tpu.memory_space<vmem>> -> memref<200x64xf32, #tpu.memory_space<vmem>>
      %dma_start3A_67 = arith.constant 0 : i32
      %dma_start3A_68 = arith.constant 0 : i32
      %dma_start3A_69 = tpu.memref_slice %arg8[%dma_start3A_67, %dma_start3A_68] : memref<400x64xf32, #tpu.memory_space<vmem>> -> memref<200x64xf32, #tpu.memory_space<vmem>>
      tpu.enqueue_dma source(%arg4 : memref<200x64xf32, #tpu.memory_space<hbm>>) target(%dma_start3A_69 : memref<200x64xf32, #tpu.memory_space<vmem>>) target_semaphore(%run_scoped3A : memref<!tpu.dma_semaphore, #tpu.memory_space<semaphore_mem>>)
      %dma_wait3A = arith.constant 0 : i32
      %dma_wait3A_70 = arith.constant 0 : i32
      %dma_wait3A_71 = tpu.memref_slice %arg8[%dma_wait3A, %dma_wait3A_70] : memref<400x64xf32, #tpu.memory_space<vmem>> -> memref<200x64xf32, #tpu.memory_space<vmem>>
      %dma_wait3A_72 = arith.constant 0 : i32
      %dma_wait3A_73 = arith.constant 0 : i32
      %dma_wait3A_74 = tpu.memref_slice %arg8[%dma_wait3A_72, %dma_wait3A_73] : memref<400x64xf32, #tpu.memory_space<vmem>> -> memref<200x64xf32, #tpu.memory_space<vmem>>
      tpu.wait_dma2 semaphore(%run_scoped3A : memref<!tpu.dma_semaphore, #tpu.memory_space<semaphore_mem>>) src(%arg4 : memref<200x64xf32, #tpu.memory_space<hbm>>) dst(%dma_wait3A_74 : memref<200x64xf32, #tpu.memory_space<vmem>>)
      tpu.yield
    }) : () -> ()
    "tpu.region"() ({
      %run_scoped3A = tpu.sem_alloc : memref<!tpu.dma_semaphore, #tpu.memory_space<semaphore_mem>>
      %dma_start3A_64 = arith.constant 200 : i32
      %dma_start3A_65 = arith.constant 0 : i32
      %dma_start3A_66 = tpu.memref_slice %arg8[%dma_start3A_64, %dma_start3A_65] : memref<400x64xf32, #tpu.memory_space<vmem>> -> memref<200x64xf32, #tpu.memory_space<vmem>>
      %dma_start3A_67 = arith.constant 200 : i32
      %dma_start3A_68 = arith.constant 0 : i32
      %dma_start3A_69 = tpu.memref_slice %arg8[%dma_start3A_67, %dma_start3A_68] : memref<400x64xf32, #tpu.memory_space<vmem>> -> memref<200x64xf32, #tpu.memory_space<vmem>>
      tpu.enqueue_dma source(%arg4 : memref<200x64xf32, #tpu.memory_space<hbm>>) target(%dma_start3A_69 : memref<200x64xf32, #tpu.memory_space<vmem>>) target_semaphore(%run_scoped3A : memref<!tpu.dma_semaphore, #tpu.memory_space<semaphore_mem>>)
      %dma_wait3A = arith.constant 200 : i32
      %dma_wait3A_70 = arith.constant 0 : i32
      %dma_wait3A_71 = tpu.memref_slice %arg8[%dma_wait3A, %dma_wait3A_70] : memref<400x64xf32, #tpu.memory_space<vmem>> -> memref<200x64xf32, #tpu.memory_space<vmem>>
      %dma_wait3A_72 = arith.constant 200 : i32
      %dma_wait3A_73 = arith.constant 0 : i32
      %dma_wait3A_74 = tpu.memref_slice %arg8[%dma_wait3A_72, %dma_wait3A_73] : memref<400x64xf32, #tpu.memory_space<vmem>> -> memref<200x64xf32, #tpu.memory_space<vmem>>
      tpu.wait_dma2 semaphore(%run_scoped3A : memref<!tpu.dma_semaphore, #tpu.memory_space<semaphore_mem>>) src(%arg4 : memref<200x64xf32, #tpu.memory_space<hbm>>) dst(%dma_wait3A_74 : memref<200x64xf32, #tpu.memory_space<vmem>>)
      tpu.yield
    }) : () -> ()
    %add3A_3 = arith.constant 0 : i32
    %add3A_4 = arith.addi %mul3A_2, %add3A_3 : i32
    %dma_start3A = arith.constant 0 : i32
    %dma_start3A_5 = arith.constant 0 : i32
    %dma_start3A_6 = arith.constant 0 : i32
    %dma_start3A_7 = tpu.memref_slice %arg6[%dma_start3A, %dma_start3A_6] : memref<4x128xi32, #tpu.memory_space<vmem>> -> memref<1x128xi32, #tpu.memory_space<vmem>>
    %dma_start3A_8 = tpu.memref_squeeze %dma_start3A_7 : memref<1x128xi32, #tpu.memory_space<vmem>> -> memref<128xi32, #tpu.memory_space<vmem>>
    %dma_start3A_9 = tpu.memref_slice %arg2[%add3A_4] : memref<819200xi32, #tpu.memory_space<hbm>> -> memref<128xi32, #tpu.memory_space<hbm>>
    %dma_start3A_10 = tpu.memref_slice %arg9[%dma_start3A_5] : memref<4x!tpu.dma_semaphore, #tpu.memory_space<semaphore_mem>> -> memref<1x!tpu.dma_semaphore, #tpu.memory_space<semaphore_mem>>
    %dma_start3A_11 = tpu.memref_squeeze %dma_start3A_10 : memref<1x!tpu.dma_semaphore, #tpu.memory_space<semaphore_mem>> -> memref<!tpu.dma_semaphore, #tpu.memory_space<semaphore_mem>>
    %dma_start3A_12 = arith.constant 0 : i32
    %dma_start3A_13 = tpu.memref_slice %arg6[%dma_start3A, %dma_start3A_12] : memref<4x128xi32, #tpu.memory_space<vmem>> -> memref<1x128xi32, #tpu.memory_space<vmem>>
    %dma_start3A_14 = tpu.memref_squeeze %dma_start3A_13 : memref<1x128xi32, #tpu.memory_space<vmem>> -> memref<128xi32, #tpu.memory_space<vmem>>
    %dma_start3A_15 = tpu.memref_slice %arg2[%add3A_4] : memref<819200xi32, #tpu.memory_space<hbm>> -> memref<128xi32, #tpu.memory_space<hbm>>
    tpu.enqueue_dma source(%dma_start3A_15 : memref<128xi32, #tpu.memory_space<hbm>>) target(%dma_start3A_14 : memref<128xi32, #tpu.memory_space<vmem>>) target_semaphore(%dma_start3A_11 : memref<!tpu.dma_semaphore, #tpu.memory_space<semaphore_mem>>)
    %add3A_16 = arith.constant 128 : i32
    %add3A_17 = arith.addi %mul3A_2, %add3A_16 : i32
    %dma_start3A_18 = arith.constant 1 : i32
    %dma_start3A_19 = arith.constant 1 : i32
    %dma_start3A_20 = arith.constant 0 : i32
    %dma_start3A_21 = tpu.memref_slice %arg6[%dma_start3A_18, %dma_start3A_20] : memref<4x128xi32, #tpu.memory_space<vmem>> -> memref<1x128xi32, #tpu.memory_space<vmem>>
    %dma_start3A_22 = tpu.memref_squeeze %dma_start3A_21 : memref<1x128xi32, #tpu.memory_space<vmem>> -> memref<128xi32, #tpu.memory_space<vmem>>
    %dma_start3A_23 = tpu.memref_slice %arg2[%add3A_17] : memref<819200xi32, #tpu.memory_space<hbm>> -> memref<128xi32, #tpu.memory_space<hbm>>
    %dma_start3A_24 = tpu.memref_slice %arg9[%dma_start3A_19] : memref<4x!tpu.dma_semaphore, #tpu.memory_space<semaphore_mem>> -> memref<1x!tpu.dma_semaphore, #tpu.memory_space<semaphore_mem>>
    %dma_start3A_25 = tpu.memref_squeeze %dma_start3A_24 : memref<1x!tpu.dma_semaphore, #tpu.memory_space<semaphore_mem>> -> memref<!tpu.dma_semaphore, #tpu.memory_space<semaphore_mem>>
    %dma_start3A_26 = arith.constant 0 : i32
    %dma_start3A_27 = tpu.memref_slice %arg6[%dma_start3A_18, %dma_start3A_26] : memref<4x128xi32, #tpu.memory_space<vmem>> -> memref<1x128xi32, #tpu.memory_space<vmem>>
    %dma_start3A_28 = tpu.memref_squeeze %dma_start3A_27 : memref<1x128xi32, #tpu.memory_space<vmem>> -> memref<128xi32, #tpu.memory_space<vmem>>
    %dma_start3A_29 = tpu.memref_slice %arg2[%add3A_17] : memref<819200xi32, #tpu.memory_space<hbm>> -> memref<128xi32, #tpu.memory_space<hbm>>
    tpu.enqueue_dma source(%dma_start3A_29 : memref<128xi32, #tpu.memory_space<hbm>>) target(%dma_start3A_28 : memref<128xi32, #tpu.memory_space<vmem>>) target_semaphore(%dma_start3A_25 : memref<!tpu.dma_semaphore, #tpu.memory_space<semaphore_mem>>)
    %add3A_30 = arith.constant 256 : i32
    %add3A_31 = arith.addi %mul3A_2, %add3A_30 : i32
    %dma_start3A_32 = arith.constant 2 : i32
    %dma_start3A_33 = arith.constant 2 : i32
    %dma_start3A_34 = arith.constant 0 : i32
    %dma_start3A_35 = tpu.memref_slice %arg6[%dma_start3A_32, %dma_start3A_34] : memref<4x128xi32, #tpu.memory_space<vmem>> -> memref<1x128xi32, #tpu.memory_space<vmem>>
    %dma_start3A_36 = tpu.memref_squeeze %dma_start3A_35 : memref<1x128xi32, #tpu.memory_space<vmem>> -> memref<128xi32, #tpu.memory_space<vmem>>
    %dma_start3A_37 = tpu.memref_slice %arg2[%add3A_31] : memref<819200xi32, #tpu.memory_space<hbm>> -> memref<128xi32, #tpu.memory_space<hbm>>
    %dma_start3A_38 = tpu.memref_slice %arg9[%dma_start3A_33] : memref<4x!tpu.dma_semaphore, #tpu.memory_space<semaphore_mem>> -> memref<1x!tpu.dma_semaphore, #tpu.memory_space<semaphore_mem>>
    %dma_start3A_39 = tpu.memref_squeeze %dma_start3A_38 : memref<1x!tpu.dma_semaphore, #tpu.memory_space<semaphore_mem>> -> memref<!tpu.dma_semaphore, #tpu.memory_space<semaphore_mem>>
    %dma_start3A_40 = arith.constant 0 : i32
    %dma_start3A_41 = tpu.memref_slice %arg6[%dma_start3A_32, %dma_start3A_40] : memref<4x128xi32, #tpu.memory_space<vmem>> -> memref<1x128xi32, #tpu.memory_space<vmem>>
    %dma_start3A_42 = tpu.memref_squeeze %dma_start3A_41 : memref<1x128xi32, #tpu.memory_space<vmem>> -> memref<128xi32, #tpu.memory_space<vmem>>
    %dma_start3A_43 = tpu.memref_slice %arg2[%add3A_31] : memref<819200xi32, #tpu.memory_space<hbm>> -> memref<128xi32, #tpu.memory_space<hbm>>
    tpu.enqueue_dma source(%dma_start3A_43 : memref<128xi32, #tpu.memory_space<hbm>>) target(%dma_start3A_42 : memref<128xi32, #tpu.memory_space<vmem>>) target_semaphore(%dma_start3A_39 : memref<!tpu.dma_semaphore, #tpu.memory_space<semaphore_mem>>)
    %add3A_44 = arith.constant 384 : i32
    %add3A_45 = arith.addi %mul3A_2, %add3A_44 : i32
    %dma_start3A_46 = arith.constant 3 : i32
    %dma_start3A_47 = arith.constant 3 : i32
    %dma_start3A_48 = arith.constant 0 : i32
    %dma_start3A_49 = tpu.memref_slice %arg6[%dma_start3A_46, %dma_start3A_48] : memref<4x128xi32, #tpu.memory_space<vmem>> -> memref<1x128xi32, #tpu.memory_space<vmem>>
    %dma_start3A_50 = tpu.memref_squeeze %dma_start3A_49 : memref<1x128xi32, #tpu.memory_space<vmem>> -> memref<128xi32, #tpu.memory_space<vmem>>
    %dma_start3A_51 = tpu.memref_slice %arg2[%add3A_45] : memref<819200xi32, #tpu.memory_space<hbm>> -> memref<128xi32, #tpu.memory_space<hbm>>
    %dma_start3A_52 = tpu.memref_slice %arg9[%dma_start3A_47] : memref<4x!tpu.dma_semaphore, #tpu.memory_space<semaphore_mem>> -> memref<1x!tpu.dma_semaphore, #tpu.memory_space<semaphore_mem>>
    %dma_start3A_53 = tpu.memref_squeeze %dma_start3A_52 : memref<1x!tpu.dma_semaphore, #tpu.memory_space<semaphore_mem>> -> memref<!tpu.dma_semaphore, #tpu.memory_space<semaphore_mem>>
    %dma_start3A_54 = arith.constant 0 : i32
    %dma_start3A_55 = tpu.memref_slice %arg6[%dma_start3A_46, %dma_start3A_54] : memref<4x128xi32, #tpu.memory_space<vmem>> -> memref<1x128xi32, #tpu.memory_space<vmem>>
    %dma_start3A_56 = tpu.memref_squeeze %dma_start3A_55 : memref<1x128xi32, #tpu.memory_space<vmem>> -> memref<128xi32, #tpu.memory_space<vmem>>
    %dma_start3A_57 = tpu.memref_slice %arg2[%add3A_45] : memref<819200xi32, #tpu.memory_space<hbm>> -> memref<128xi32, #tpu.memory_space<hbm>>
    tpu.enqueue_dma source(%dma_start3A_57 : memref<128xi32, #tpu.memory_space<hbm>>) target(%dma_start3A_56 : memref<128xi32, #tpu.memory_space<vmem>>) target_semaphore(%dma_start3A_53 : memref<!tpu.dma_semaphore, #tpu.memory_space<semaphore_mem>>)
    %scan3A = arith.constant 0 : i32
    %scan3A_58 = arith.constant 0 : i32
    %scan3A_59 = arith.constant 50 : i32
    %scan3A_60 = arith.addi %scan3A_58, %scan3A_59 : i32
    %scan3A_61 = arith.constant 1 : i32
    %scan3A_62 = scf.for %scan3A_64 = %scan3A_58 to %scan3A_60 step %scan3A_61 iter_args(%scan3A_65 = %scan3A) -> (i32)  : i32 {
      %mul3A_66 = arith.constant 4 : i32
      %mul3A_67 = arith.muli %scan3A_64, %mul3A_66 : i32
      %gt3A = arith.constant 0 : i32
      %gt3A_68 = arith.cmpi sgt, %scan3A_64, %gt3A : i32
      %convert_element_type3A = arith.extui %gt3A_68 : i1 to i32
      %cond3A = arith.constant 0 : i32
      %cond3A_69 = arith.cmpi ne, %convert_element_type3A, %cond3A : i32
      scf.if %cond3A_69 {
        %add3A_419 = arith.constant 0 : i32
        %add3A_420 = arith.addi %mul3A_67, %add3A_419 : i32
        %mul3A_421 = arith.constant 128 : i32
        %mul3A_422 = arith.muli %add3A_420, %mul3A_421 : i32
        %add3A_423 = arith.addi %mul3A_2, %mul3A_422 : i32
        %dma_wait3A_424 = arith.constant 0 : i32
        %dma_wait3A_425 = arith.constant 0 : i32
        %dma_wait3A_426 = arith.constant 0 : i32
        %dma_wait3A_427 = arith.constant 0 : i32
        %dma_wait3A_428 = tpu.memref_slice %arg7[%dma_wait3A_424, %dma_wait3A_426, %dma_wait3A_427] : memref<4x128x64xf32, #tpu.memory_space<vmem>> -> memref<1x128x64xf32, #tpu.memory_space<vmem>>
        %dma_wait3A_429 = tpu.memref_squeeze %dma_wait3A_428 : memref<1x128x64xf32, #tpu.memory_space<vmem>> -> memref<128x64xf32, #tpu.memory_space<vmem>>
        %dma_wait3A_430 = arith.constant 0 : i32
        %dma_wait3A_431 = tpu.memref_slice %arg5[%add3A_423, %dma_wait3A_430] : memref<819200x64xf32, #tpu.memory_space<hbm>> -> memref<128x64xf32, #tpu.memory_space<hbm>>
        %dma_wait3A_432 = tpu.memref_slice %arg11[%dma_wait3A_425] : memref<4x!tpu.dma_semaphore, #tpu.memory_space<semaphore_mem>> -> memref<1x!tpu.dma_semaphore, #tpu.memory_space<semaphore_mem>>
        %dma_wait3A_433 = tpu.memref_squeeze %dma_wait3A_432 : memref<1x!tpu.dma_semaphore, #tpu.memory_space<semaphore_mem>> -> memref<!tpu.dma_semaphore, #tpu.memory_space<semaphore_mem>>
        %dma_wait3A_434 = arith.constant 0 : i32
        %dma_wait3A_435 = tpu.memref_slice %arg5[%add3A_423, %dma_wait3A_434] : memref<819200x64xf32, #tpu.memory_space<hbm>> -> memref<128x64xf32, #tpu.memory_space<hbm>>
        %dma_wait3A_436 = arith.constant 0 : i32
        %dma_wait3A_437 = arith.constant 0 : i32
        %dma_wait3A_438 = tpu.memref_slice %arg7[%dma_wait3A_424, %dma_wait3A_436, %dma_wait3A_437] : memref<4x128x64xf32, #tpu.memory_space<vmem>> -> memref<1x128x64xf32, #tpu.memory_space<vmem>>
        %dma_wait3A_439 = tpu.memref_squeeze %dma_wait3A_438 : memref<1x128x64xf32, #tpu.memory_space<vmem>> -> memref<128x64xf32, #tpu.memory_space<vmem>>
        tpu.wait_dma2 semaphore(%dma_wait3A_433 : memref<!tpu.dma_semaphore, #tpu.memory_space<semaphore_mem>>) src(%dma_wait3A_439 : memref<128x64xf32, #tpu.memory_space<vmem>>) dst(%dma_wait3A_435 : memref<128x64xf32, #tpu.memory_space<hbm>>)
      } else {
      }
      %add3A_70 = arith.constant 0 : i32
      %add3A_71 = arith.addi %mul3A_67, %add3A_70 : i32
      %mul3A_72 = arith.constant 128 : i32
      %mul3A_73 = arith.muli %add3A_71, %mul3A_72 : i32
      %add3A_74 = arith.addi %mul3A_2, %mul3A_73 : i32
      %dma_wait3A = arith.constant 0 : i32
      %dma_wait3A_75 = arith.constant 0 : i32
      %dma_wait3A_76 = arith.constant 0 : i32
      %dma_wait3A_77 = tpu.memref_slice %arg6[%dma_wait3A, %dma_wait3A_76] : memref<4x128xi32, #tpu.memory_space<vmem>> -> memref<1x128xi32, #tpu.memory_space<vmem>>
      %dma_wait3A_78 = tpu.memref_squeeze %dma_wait3A_77 : memref<1x128xi32, #tpu.memory_space<vmem>> -> memref<128xi32, #tpu.memory_space<vmem>>
      %dma_wait3A_79 = tpu.memref_slice %arg2[%add3A_74] : memref<819200xi32, #tpu.memory_space<hbm>> -> memref<128xi32, #tpu.memory_space<hbm>>
      %dma_wait3A_80 = tpu.memref_slice %arg9[%dma_wait3A_75] : memref<4x!tpu.dma_semaphore, #tpu.memory_space<semaphore_mem>> -> memref<1x!tpu.dma_semaphore, #tpu.memory_space<semaphore_mem>>
      %dma_wait3A_81 = tpu.memref_squeeze %dma_wait3A_80 : memref<1x!tpu.dma_semaphore, #tpu.memory_space<semaphore_mem>> -> memref<!tpu.dma_semaphore, #tpu.memory_space<semaphore_mem>>
      %dma_wait3A_82 = arith.constant 0 : i32
      %dma_wait3A_83 = tpu.memref_slice %arg6[%dma_wait3A, %dma_wait3A_82] : memref<4x128xi32, #tpu.memory_space<vmem>> -> memref<1x128xi32, #tpu.memory_space<vmem>>
      %dma_wait3A_84 = tpu.memref_squeeze %dma_wait3A_83 : memref<1x128xi32, #tpu.memory_space<vmem>> -> memref<128xi32, #tpu.memory_space<vmem>>
      %dma_wait3A_85 = tpu.memref_slice %arg2[%add3A_74] : memref<819200xi32, #tpu.memory_space<hbm>> -> memref<128xi32, #tpu.memory_space<hbm>>
      tpu.wait_dma2 semaphore(%dma_wait3A_81 : memref<!tpu.dma_semaphore, #tpu.memory_space<semaphore_mem>>) src(%dma_wait3A_85 : memref<128xi32, #tpu.memory_space<hbm>>) dst(%dma_wait3A_84 : memref<128xi32, #tpu.memory_space<vmem>>)
      %dma_start3A_86 = arith.constant 0 : i32
      %dma_start3A_87 = arith.constant 0 : i32
      %dma_start3A_88 = arith.constant 0 : i32
      %dma_start3A_89 = arith.constant 0 : i32
      %dma_start3A_90 = arith.constant 0 : i32
      %dma_start3A_91 = tpu.memref_slice %arg7[%dma_start3A_87, %dma_start3A_89, %dma_start3A_90] : memref<4x128x64xf32, #tpu.memory_space<vmem>> -> memref<1x128x64xf32, #tpu.memory_space<vmem>>
      %dma_start3A_92 = tpu.memref_squeeze %dma_start3A_91 : memref<1x128x64xf32, #tpu.memory_space<vmem>> -> memref<128x64xf32, #tpu.memory_space<vmem>>
      %dma_start3A_93 = arith.constant 0 : i32
      %dma_start3A_94 = tpu.memref_slice %arg6[%dma_start3A_86, %dma_start3A_93] : memref<4x128xi32, #tpu.memory_space<vmem>> -> memref<1x128xi32, #tpu.memory_space<vmem>>
      %dma_start3A_95 = tpu.memref_squeeze %dma_start3A_94 : memref<1x128xi32, #tpu.memory_space<vmem>> -> memref<128xi32, #tpu.memory_space<vmem>>
      %dma_start3A_96 = arith.constant 0 : i32
      %dma_start3A_97 = arith.constant 0 : i32
      %dma_start3A_98 = tpu.memref_slice %arg3[%dma_start3A_96, %dma_start3A_97] : memref<1000000x64xf32, #tpu.memory_space<hbm>> -> memref<1000000x64xf32, #tpu.memory_space<hbm>>
      %dma_start3A_99 = tpu.memref_slice %arg10[%dma_start3A_88] : memref<4x!tpu.dma_semaphore, #tpu.memory_space<semaphore_mem>> -> memref<1x!tpu.dma_semaphore, #tpu.memory_space<semaphore_mem>>
      %dma_start3A_100 = tpu.memref_squeeze %dma_start3A_99 : memref<1x!tpu.dma_semaphore, #tpu.memory_space<semaphore_mem>> -> memref<!tpu.dma_semaphore, #tpu.memory_space<semaphore_mem>>
      tpu.enqueue_indirect_dma source(%dma_start3A_98 : memref<1000000x64xf32, #tpu.memory_space<hbm>>) target(%dma_start3A_92 : memref<128x64xf32, #tpu.memory_space<vmem>>) offsets(%dma_start3A_95 : memref<128xi32, #tpu.memory_space<vmem>>) semaphore(%dma_start3A_100 : memref<!tpu.dma_semaphore, #tpu.memory_space<semaphore_mem>>)
      %gt3A_101 = arith.constant 0 : i32
      %gt3A_102 = arith.cmpi sgt, %scan3A_64, %gt3A_101 : i32
      %convert_element_type3A_103 = arith.extui %gt3A_102 : i1 to i32
      %cond3A_104 = arith.constant 0 : i32
      %cond3A_105 = arith.cmpi ne, %convert_element_type3A_103, %cond3A_104 : i32
      scf.if %cond3A_105 {
        %add3A_419 = arith.constant 1 : i32
        %add3A_420 = arith.addi %mul3A_67, %add3A_419 : i32
        %mul3A_421 = arith.constant 128 : i32
        %mul3A_422 = arith.muli %add3A_420, %mul3A_421 : i32
        %add3A_423 = arith.addi %mul3A_2, %mul3A_422 : i32
        %dma_wait3A_424 = arith.constant 1 : i32
        %dma_wait3A_425 = arith.constant 1 : i32
        %dma_wait3A_426 = arith.constant 0 : i32
        %dma_wait3A_427 = arith.constant 0 : i32
        %dma_wait3A_428 = tpu.memref_slice %arg7[%dma_wait3A_424, %dma_wait3A_426, %dma_wait3A_427] : memref<4x128x64xf32, #tpu.memory_space<vmem>> -> memref<1x128x64xf32, #tpu.memory_space<vmem>>
        %dma_wait3A_429 = tpu.memref_squeeze %dma_wait3A_428 : memref<1x128x64xf32, #tpu.memory_space<vmem>> -> memref<128x64xf32, #tpu.memory_space<vmem>>
        %dma_wait3A_430 = arith.constant 0 : i32
        %dma_wait3A_431 = tpu.memref_slice %arg5[%add3A_423, %dma_wait3A_430] : memref<819200x64xf32, #tpu.memory_space<hbm>> -> memref<128x64xf32, #tpu.memory_space<hbm>>
        %dma_wait3A_432 = tpu.memref_slice %arg11[%dma_wait3A_425] : memref<4x!tpu.dma_semaphore, #tpu.memory_space<semaphore_mem>> -> memref<1x!tpu.dma_semaphore, #tpu.memory_space<semaphore_mem>>
        %dma_wait3A_433 = tpu.memref_squeeze %dma_wait3A_432 : memref<1x!tpu.dma_semaphore, #tpu.memory_space<semaphore_mem>> -> memref<!tpu.dma_semaphore, #tpu.memory_space<semaphore_mem>>
        %dma_wait3A_434 = arith.constant 0 : i32
        %dma_wait3A_435 = tpu.memref_slice %arg5[%add3A_423, %dma_wait3A_434] : memref<819200x64xf32, #tpu.memory_space<hbm>> -> memref<128x64xf32, #tpu.memory_space<hbm>>
        %dma_wait3A_436 = arith.constant 0 : i32
        %dma_wait3A_437 = arith.constant 0 : i32
        %dma_wait3A_438 = tpu.memref_slice %arg7[%dma_wait3A_424, %dma_wait3A_436, %dma_wait3A_437] : memref<4x128x64xf32, #tpu.memory_space<vmem>> -> memref<1x128x64xf32, #tpu.memory_space<vmem>>
        %dma_wait3A_439 = tpu.memref_squeeze %dma_wait3A_438 : memref<1x128x64xf32, #tpu.memory_space<vmem>> -> memref<128x64xf32, #tpu.memory_space<vmem>>
        tpu.wait_dma2 semaphore(%dma_wait3A_433 : memref<!tpu.dma_semaphore, #tpu.memory_space<semaphore_mem>>) src(%dma_wait3A_439 : memref<128x64xf32, #tpu.memory_space<vmem>>) dst(%dma_wait3A_435 : memref<128x64xf32, #tpu.memory_space<hbm>>)
      } else {
      }
      %add3A_106 = arith.constant 1 : i32
      %add3A_107 = arith.addi %mul3A_67, %add3A_106 : i32
      %mul3A_108 = arith.constant 128 : i32
      %mul3A_109 = arith.muli %add3A_107, %mul3A_108 : i32
      %add3A_110 = arith.addi %mul3A_2, %mul3A_109 : i32
      %dma_wait3A_111 = arith.constant 1 : i32
      %dma_wait3A_112 = arith.constant 1 : i32
      %dma_wait3A_113 = arith.constant 0 : i32
      %dma_wait3A_114 = tpu.memref_slice %arg6[%dma_wait3A_111, %dma_wait3A_113] : memref<4x128xi32, #tpu.memory_space<vmem>> -> memref<1x128xi32, #tpu.memory_space<vmem>>
      %dma_wait3A_115 = tpu.memref_squeeze %dma_wait3A_114 : memref<1x128xi32, #tpu.memory_space<vmem>> -> memref<128xi32, #tpu.memory_space<vmem>>
      %dma_wait3A_116 = tpu.memref_slice %arg2[%add3A_110] : memref<819200xi32, #tpu.memory_space<hbm>> -> memref<128xi32, #tpu.memory_space<hbm>>
      %dma_wait3A_117 = tpu.memref_slice %arg9[%dma_wait3A_112] : memref<4x!tpu.dma_semaphore, #tpu.memory_space<semaphore_mem>> -> memref<1x!tpu.dma_semaphore, #tpu.memory_space<semaphore_mem>>
      %dma_wait3A_118 = tpu.memref_squeeze %dma_wait3A_117 : memref<1x!tpu.dma_semaphore, #tpu.memory_space<semaphore_mem>> -> memref<!tpu.dma_semaphore, #tpu.memory_space<semaphore_mem>>
      %dma_wait3A_119 = arith.constant 0 : i32
      %dma_wait3A_120 = tpu.memref_slice %arg6[%dma_wait3A_111, %dma_wait3A_119] : memref<4x128xi32, #tpu.memory_space<vmem>> -> memref<1x128xi32, #tpu.memory_space<vmem>>
      %dma_wait3A_121 = tpu.memref_squeeze %dma_wait3A_120 : memref<1x128xi32, #tpu.memory_space<vmem>> -> memref<128xi32, #tpu.memory_space<vmem>>
      %dma_wait3A_122 = tpu.memref_slice %arg2[%add3A_110] : memref<819200xi32, #tpu.memory_space<hbm>> -> memref<128xi32, #tpu.memory_space<hbm>>
      tpu.wait_dma2 semaphore(%dma_wait3A_118 : memref<!tpu.dma_semaphore, #tpu.memory_space<semaphore_mem>>) src(%dma_wait3A_122 : memref<128xi32, #tpu.memory_space<hbm>>) dst(%dma_wait3A_121 : memref<128xi32, #tpu.memory_space<vmem>>)
      %dma_start3A_123 = arith.constant 1 : i32
      %dma_start3A_124 = arith.constant 1 : i32
      %dma_start3A_125 = arith.constant 1 : i32
      %dma_start3A_126 = arith.constant 0 : i32
      %dma_start3A_127 = arith.constant 0 : i32
      %dma_start3A_128 = tpu.memref_slice %arg7[%dma_start3A_124, %dma_start3A_126, %dma_start3A_127] : memref<4x128x64xf32, #tpu.memory_space<vmem>> -> memref<1x128x64xf32, #tpu.memory_space<vmem>>
      %dma_start3A_129 = tpu.memref_squeeze %dma_start3A_128 : memref<1x128x64xf32, #tpu.memory_space<vmem>> -> memref<128x64xf32, #tpu.memory_space<vmem>>
      %dma_start3A_130 = arith.constant 0 : i32
      %dma_start3A_131 = tpu.memref_slice %arg6[%dma_start3A_123, %dma_start3A_130] : memref<4x128xi32, #tpu.memory_space<vmem>> -> memref<1x128xi32, #tpu.memory_space<vmem>>
      %dma_start3A_132 = tpu.memref_squeeze %dma_start3A_131 : memref<1x128xi32, #tpu.memory_space<vmem>> -> memref<128xi32, #tpu.memory_space<vmem>>
      %dma_start3A_133 = arith.constant 0 : i32
      %dma_start3A_134 = arith.constant 0 : i32
      %dma_start3A_135 = tpu.memref_slice %arg3[%dma_start3A_133, %dma_start3A_134] : memref<1000000x64xf32, #tpu.memory_space<hbm>> -> memref<1000000x64xf32, #tpu.memory_space<hbm>>
      %dma_start3A_136 = tpu.memref_slice %arg10[%dma_start3A_125] : memref<4x!tpu.dma_semaphore, #tpu.memory_space<semaphore_mem>> -> memref<1x!tpu.dma_semaphore, #tpu.memory_space<semaphore_mem>>
      %dma_start3A_137 = tpu.memref_squeeze %dma_start3A_136 : memref<1x!tpu.dma_semaphore, #tpu.memory_space<semaphore_mem>> -> memref<!tpu.dma_semaphore, #tpu.memory_space<semaphore_mem>>
      tpu.enqueue_indirect_dma source(%dma_start3A_135 : memref<1000000x64xf32, #tpu.memory_space<hbm>>) target(%dma_start3A_129 : memref<128x64xf32, #tpu.memory_space<vmem>>) offsets(%dma_start3A_132 : memref<128xi32, #tpu.memory_space<vmem>>) semaphore(%dma_start3A_137 : memref<!tpu.dma_semaphore, #tpu.memory_space<semaphore_mem>>)
      %gt3A_138 = arith.constant 0 : i32
      %gt3A_139 = arith.cmpi sgt, %scan3A_64, %gt3A_138 : i32
      %convert_element_type3A_140 = arith.extui %gt3A_139 : i1 to i32
      %cond3A_141 = arith.constant 0 : i32
      %cond3A_142 = arith.cmpi ne, %convert_element_type3A_140, %cond3A_141 : i32
      scf.if %cond3A_142 {
        %add3A_419 = arith.constant 2 : i32
        %add3A_420 = arith.addi %mul3A_67, %add3A_419 : i32
        %mul3A_421 = arith.constant 128 : i32
        %mul3A_422 = arith.muli %add3A_420, %mul3A_421 : i32
        %add3A_423 = arith.addi %mul3A_2, %mul3A_422 : i32
        %dma_wait3A_424 = arith.constant 2 : i32
        %dma_wait3A_425 = arith.constant 2 : i32
        %dma_wait3A_426 = arith.constant 0 : i32
        %dma_wait3A_427 = arith.constant 0 : i32
        %dma_wait3A_428 = tpu.memref_slice %arg7[%dma_wait3A_424, %dma_wait3A_426, %dma_wait3A_427] : memref<4x128x64xf32, #tpu.memory_space<vmem>> -> memref<1x128x64xf32, #tpu.memory_space<vmem>>
        %dma_wait3A_429 = tpu.memref_squeeze %dma_wait3A_428 : memref<1x128x64xf32, #tpu.memory_space<vmem>> -> memref<128x64xf32, #tpu.memory_space<vmem>>
        %dma_wait3A_430 = arith.constant 0 : i32
        %dma_wait3A_431 = tpu.memref_slice %arg5[%add3A_423, %dma_wait3A_430] : memref<819200x64xf32, #tpu.memory_space<hbm>> -> memref<128x64xf32, #tpu.memory_space<hbm>>
        %dma_wait3A_432 = tpu.memref_slice %arg11[%dma_wait3A_425] : memref<4x!tpu.dma_semaphore, #tpu.memory_space<semaphore_mem>> -> memref<1x!tpu.dma_semaphore, #tpu.memory_space<semaphore_mem>>
        %dma_wait3A_433 = tpu.memref_squeeze %dma_wait3A_432 : memref<1x!tpu.dma_semaphore, #tpu.memory_space<semaphore_mem>> -> memref<!tpu.dma_semaphore, #tpu.memory_space<semaphore_mem>>
        %dma_wait3A_434 = arith.constant 0 : i32
        %dma_wait3A_435 = tpu.memref_slice %arg5[%add3A_423, %dma_wait3A_434] : memref<819200x64xf32, #tpu.memory_space<hbm>> -> memref<128x64xf32, #tpu.memory_space<hbm>>
        %dma_wait3A_436 = arith.constant 0 : i32
        %dma_wait3A_437 = arith.constant 0 : i32
        %dma_wait3A_438 = tpu.memref_slice %arg7[%dma_wait3A_424, %dma_wait3A_436, %dma_wait3A_437] : memref<4x128x64xf32, #tpu.memory_space<vmem>> -> memref<1x128x64xf32, #tpu.memory_space<vmem>>
        %dma_wait3A_439 = tpu.memref_squeeze %dma_wait3A_438 : memref<1x128x64xf32, #tpu.memory_space<vmem>> -> memref<128x64xf32, #tpu.memory_space<vmem>>
        tpu.wait_dma2 semaphore(%dma_wait3A_433 : memref<!tpu.dma_semaphore, #tpu.memory_space<semaphore_mem>>) src(%dma_wait3A_439 : memref<128x64xf32, #tpu.memory_space<vmem>>) dst(%dma_wait3A_435 : memref<128x64xf32, #tpu.memory_space<hbm>>)
      } else {
      }
      %add3A_143 = arith.constant 2 : i32
      %add3A_144 = arith.addi %mul3A_67, %add3A_143 : i32
      %mul3A_145 = arith.constant 128 : i32
      %mul3A_146 = arith.muli %add3A_144, %mul3A_145 : i32
      %add3A_147 = arith.addi %mul3A_2, %mul3A_146 : i32
      %dma_wait3A_148 = arith.constant 2 : i32
      %dma_wait3A_149 = arith.constant 2 : i32
      %dma_wait3A_150 = arith.constant 0 : i32
      %dma_wait3A_151 = tpu.memref_slice %arg6[%dma_wait3A_148, %dma_wait3A_150] : memref<4x128xi32, #tpu.memory_space<vmem>> -> memref<1x128xi32, #tpu.memory_space<vmem>>
      %dma_wait3A_152 = tpu.memref_squeeze %dma_wait3A_151 : memref<1x128xi32, #tpu.memory_space<vmem>> -> memref<128xi32, #tpu.memory_space<vmem>>
      %dma_wait3A_153 = tpu.memref_slice %arg2[%add3A_147] : memref<819200xi32, #tpu.memory_space<hbm>> -> memref<128xi32, #tpu.memory_space<hbm>>
      %dma_wait3A_154 = tpu.memref_slice %arg9[%dma_wait3A_149] : memref<4x!tpu.dma_semaphore, #tpu.memory_space<semaphore_mem>> -> memref<1x!tpu.dma_semaphore, #tpu.memory_space<semaphore_mem>>
      %dma_wait3A_155 = tpu.memref_squeeze %dma_wait3A_154 : memref<1x!tpu.dma_semaphore, #tpu.memory_space<semaphore_mem>> -> memref<!tpu.dma_semaphore, #tpu.memory_space<semaphore_mem>>
      %dma_wait3A_156 = arith.constant 0 : i32
      %dma_wait3A_157 = tpu.memref_slice %arg6[%dma_wait3A_148, %dma_wait3A_156] : memref<4x128xi32, #tpu.memory_space<vmem>> -> memref<1x128xi32, #tpu.memory_space<vmem>>
      %dma_wait3A_158 = tpu.memref_squeeze %dma_wait3A_157 : memref<1x128xi32, #tpu.memory_space<vmem>> -> memref<128xi32, #tpu.memory_space<vmem>>
      %dma_wait3A_159 = tpu.memref_slice %arg2[%add3A_147] : memref<819200xi32, #tpu.memory_space<hbm>> -> memref<128xi32, #tpu.memory_space<hbm>>
      tpu.wait_dma2 semaphore(%dma_wait3A_155 : memref<!tpu.dma_semaphore, #tpu.memory_space<semaphore_mem>>) src(%dma_wait3A_159 : memref<128xi32, #tpu.memory_space<hbm>>) dst(%dma_wait3A_158 : memref<128xi32, #tpu.memory_space<vmem>>)
      %dma_start3A_160 = arith.constant 2 : i32
      %dma_start3A_161 = arith.constant 2 : i32
      %dma_start3A_162 = arith.constant 2 : i32
      %dma_start3A_163 = arith.constant 0 : i32
      %dma_start3A_164 = arith.constant 0 : i32
      %dma_start3A_165 = tpu.memref_slice %arg7[%dma_start3A_161, %dma_start3A_163, %dma_start3A_164] : memref<4x128x64xf32, #tpu.memory_space<vmem>> -> memref<1x128x64xf32, #tpu.memory_space<vmem>>
      %dma_start3A_166 = tpu.memref_squeeze %dma_start3A_165 : memref<1x128x64xf32, #tpu.memory_space<vmem>> -> memref<128x64xf32, #tpu.memory_space<vmem>>
      %dma_start3A_167 = arith.constant 0 : i32
      %dma_start3A_168 = tpu.memref_slice %arg6[%dma_start3A_160, %dma_start3A_167] : memref<4x128xi32, #tpu.memory_space<vmem>> -> memref<1x128xi32, #tpu.memory_space<vmem>>
      %dma_start3A_169 = tpu.memref_squeeze %dma_start3A_168 : memref<1x128xi32, #tpu.memory_space<vmem>> -> memref<128xi32, #tpu.memory_space<vmem>>
      %dma_start3A_170 = arith.constant 0 : i32
      %dma_start3A_171 = arith.constant 0 : i32
      %dma_start3A_172 = tpu.memref_slice %arg3[%dma_start3A_170, %dma_start3A_171] : memref<1000000x64xf32, #tpu.memory_space<hbm>> -> memref<1000000x64xf32, #tpu.memory_space<hbm>>
      %dma_start3A_173 = tpu.memref_slice %arg10[%dma_start3A_162] : memref<4x!tpu.dma_semaphore, #tpu.memory_space<semaphore_mem>> -> memref<1x!tpu.dma_semaphore, #tpu.memory_space<semaphore_mem>>
      %dma_start3A_174 = tpu.memref_squeeze %dma_start3A_173 : memref<1x!tpu.dma_semaphore, #tpu.memory_space<semaphore_mem>> -> memref<!tpu.dma_semaphore, #tpu.memory_space<semaphore_mem>>
      tpu.enqueue_indirect_dma source(%dma_start3A_172 : memref<1000000x64xf32, #tpu.memory_space<hbm>>) target(%dma_start3A_166 : memref<128x64xf32, #tpu.memory_space<vmem>>) offsets(%dma_start3A_169 : memref<128xi32, #tpu.memory_space<vmem>>) semaphore(%dma_start3A_174 : memref<!tpu.dma_semaphore, #tpu.memory_space<semaphore_mem>>)
      %gt3A_175 = arith.constant 0 : i32
      %gt3A_176 = arith.cmpi sgt, %scan3A_64, %gt3A_175 : i32
      %convert_element_type3A_177 = arith.extui %gt3A_176 : i1 to i32
      %cond3A_178 = arith.constant 0 : i32
      %cond3A_179 = arith.cmpi ne, %convert_element_type3A_177, %cond3A_178 : i32
      scf.if %cond3A_179 {
        %add3A_419 = arith.constant 3 : i32
        %add3A_420 = arith.addi %mul3A_67, %add3A_419 : i32
        %mul3A_421 = arith.constant 128 : i32
        %mul3A_422 = arith.muli %add3A_420, %mul3A_421 : i32
        %add3A_423 = arith.addi %mul3A_2, %mul3A_422 : i32
        %dma_wait3A_424 = arith.constant 3 : i32
        %dma_wait3A_425 = arith.constant 3 : i32
        %dma_wait3A_426 = arith.constant 0 : i32
        %dma_wait3A_427 = arith.constant 0 : i32
        %dma_wait3A_428 = tpu.memref_slice %arg7[%dma_wait3A_424, %dma_wait3A_426, %dma_wait3A_427] : memref<4x128x64xf32, #tpu.memory_space<vmem>> -> memref<1x128x64xf32, #tpu.memory_space<vmem>>
        %dma_wait3A_429 = tpu.memref_squeeze %dma_wait3A_428 : memref<1x128x64xf32, #tpu.memory_space<vmem>> -> memref<128x64xf32, #tpu.memory_space<vmem>>
        %dma_wait3A_430 = arith.constant 0 : i32
        %dma_wait3A_431 = tpu.memref_slice %arg5[%add3A_423, %dma_wait3A_430] : memref<819200x64xf32, #tpu.memory_space<hbm>> -> memref<128x64xf32, #tpu.memory_space<hbm>>
        %dma_wait3A_432 = tpu.memref_slice %arg11[%dma_wait3A_425] : memref<4x!tpu.dma_semaphore, #tpu.memory_space<semaphore_mem>> -> memref<1x!tpu.dma_semaphore, #tpu.memory_space<semaphore_mem>>
        %dma_wait3A_433 = tpu.memref_squeeze %dma_wait3A_432 : memref<1x!tpu.dma_semaphore, #tpu.memory_space<semaphore_mem>> -> memref<!tpu.dma_semaphore, #tpu.memory_space<semaphore_mem>>
        %dma_wait3A_434 = arith.constant 0 : i32
        %dma_wait3A_435 = tpu.memref_slice %arg5[%add3A_423, %dma_wait3A_434] : memref<819200x64xf32, #tpu.memory_space<hbm>> -> memref<128x64xf32, #tpu.memory_space<hbm>>
        %dma_wait3A_436 = arith.constant 0 : i32
        %dma_wait3A_437 = arith.constant 0 : i32
        %dma_wait3A_438 = tpu.memref_slice %arg7[%dma_wait3A_424, %dma_wait3A_436, %dma_wait3A_437] : memref<4x128x64xf32, #tpu.memory_space<vmem>> -> memref<1x128x64xf32, #tpu.memory_space<vmem>>
        %dma_wait3A_439 = tpu.memref_squeeze %dma_wait3A_438 : memref<1x128x64xf32, #tpu.memory_space<vmem>> -> memref<128x64xf32, #tpu.memory_space<vmem>>
        tpu.wait_dma2 semaphore(%dma_wait3A_433 : memref<!tpu.dma_semaphore, #tpu.memory_space<semaphore_mem>>) src(%dma_wait3A_439 : memref<128x64xf32, #tpu.memory_space<vmem>>) dst(%dma_wait3A_435 : memref<128x64xf32, #tpu.memory_space<hbm>>)
      } else {
      }
      %add3A_180 = arith.constant 3 : i32
      %add3A_181 = arith.addi %mul3A_67, %add3A_180 : i32
      %mul3A_182 = arith.constant 128 : i32
      %mul3A_183 = arith.muli %add3A_181, %mul3A_182 : i32
      %add3A_184 = arith.addi %mul3A_2, %mul3A_183 : i32
      %dma_wait3A_185 = arith.constant 3 : i32
      %dma_wait3A_186 = arith.constant 3 : i32
      %dma_wait3A_187 = arith.constant 0 : i32
      %dma_wait3A_188 = tpu.memref_slice %arg6[%dma_wait3A_185, %dma_wait3A_187] : memref<4x128xi32, #tpu.memory_space<vmem>> -> memref<1x128xi32, #tpu.memory_space<vmem>>
      %dma_wait3A_189 = tpu.memref_squeeze %dma_wait3A_188 : memref<1x128xi32, #tpu.memory_space<vmem>> -> memref<128xi32, #tpu.memory_space<vmem>>
      %dma_wait3A_190 = tpu.memref_slice %arg2[%add3A_184] : memref<819200xi32, #tpu.memory_space<hbm>> -> memref<128xi32, #tpu.memory_space<hbm>>
      %dma_wait3A_191 = tpu.memref_slice %arg9[%dma_wait3A_186] : memref<4x!tpu.dma_semaphore, #tpu.memory_space<semaphore_mem>> -> memref<1x!tpu.dma_semaphore, #tpu.memory_space<semaphore_mem>>
      %dma_wait3A_192 = tpu.memref_squeeze %dma_wait3A_191 : memref<1x!tpu.dma_semaphore, #tpu.memory_space<semaphore_mem>> -> memref<!tpu.dma_semaphore, #tpu.memory_space<semaphore_mem>>
      %dma_wait3A_193 = arith.constant 0 : i32
      %dma_wait3A_194 = tpu.memref_slice %arg6[%dma_wait3A_185, %dma_wait3A_193] : memref<4x128xi32, #tpu.memory_space<vmem>> -> memref<1x128xi32, #tpu.memory_space<vmem>>
      %dma_wait3A_195 = tpu.memref_squeeze %dma_wait3A_194 : memref<1x128xi32, #tpu.memory_space<vmem>> -> memref<128xi32, #tpu.memory_space<vmem>>
      %dma_wait3A_196 = tpu.memref_slice %arg2[%add3A_184] : memref<819200xi32, #tpu.memory_space<hbm>> -> memref<128xi32, #tpu.memory_space<hbm>>
      tpu.wait_dma2 semaphore(%dma_wait3A_192 : memref<!tpu.dma_semaphore, #tpu.memory_space<semaphore_mem>>) src(%dma_wait3A_196 : memref<128xi32, #tpu.memory_space<hbm>>) dst(%dma_wait3A_195 : memref<128xi32, #tpu.memory_space<vmem>>)
      %dma_start3A_197 = arith.constant 3 : i32
      %dma_start3A_198 = arith.constant 3 : i32
      %dma_start3A_199 = arith.constant 3 : i32
      %dma_start3A_200 = arith.constant 0 : i32
      %dma_start3A_201 = arith.constant 0 : i32
      %dma_start3A_202 = tpu.memref_slice %arg7[%dma_start3A_198, %dma_start3A_200, %dma_start3A_201] : memref<4x128x64xf32, #tpu.memory_space<vmem>> -> memref<1x128x64xf32, #tpu.memory_space<vmem>>
      %dma_start3A_203 = tpu.memref_squeeze %dma_start3A_202 : memref<1x128x64xf32, #tpu.memory_space<vmem>> -> memref<128x64xf32, #tpu.memory_space<vmem>>
      %dma_start3A_204 = arith.constant 0 : i32
      %dma_start3A_205 = tpu.memref_slice %arg6[%dma_start3A_197, %dma_start3A_204] : memref<4x128xi32, #tpu.memory_space<vmem>> -> memref<1x128xi32, #tpu.memory_space<vmem>>
      %dma_start3A_206 = tpu.memref_squeeze %dma_start3A_205 : memref<1x128xi32, #tpu.memory_space<vmem>> -> memref<128xi32, #tpu.memory_space<vmem>>
      %dma_start3A_207 = arith.constant 0 : i32
      %dma_start3A_208 = arith.constant 0 : i32
      %dma_start3A_209 = tpu.memref_slice %arg3[%dma_start3A_207, %dma_start3A_208] : memref<1000000x64xf32, #tpu.memory_space<hbm>> -> memref<1000000x64xf32, #tpu.memory_space<hbm>>
      %dma_start3A_210 = tpu.memref_slice %arg10[%dma_start3A_199] : memref<4x!tpu.dma_semaphore, #tpu.memory_space<semaphore_mem>> -> memref<1x!tpu.dma_semaphore, #tpu.memory_space<semaphore_mem>>
      %dma_start3A_211 = tpu.memref_squeeze %dma_start3A_210 : memref<1x!tpu.dma_semaphore, #tpu.memory_space<semaphore_mem>> -> memref<!tpu.dma_semaphore, #tpu.memory_space<semaphore_mem>>
      tpu.enqueue_indirect_dma source(%dma_start3A_209 : memref<1000000x64xf32, #tpu.memory_space<hbm>>) target(%dma_start3A_203 : memref<128x64xf32, #tpu.memory_space<vmem>>) offsets(%dma_start3A_206 : memref<128xi32, #tpu.memory_space<vmem>>) semaphore(%dma_start3A_211 : memref<!tpu.dma_semaphore, #tpu.memory_space<semaphore_mem>>)
      %add3A_212 = arith.constant 0 : i32
      %add3A_213 = arith.addi %mul3A_67, %add3A_212 : i32
      %dma_wait3A_214 = arith.constant 0 : i32
      %dma_wait3A_215 = arith.constant 0 : i32
      %dma_wait3A_216 = arith.constant 0 : i32
      %dma_wait3A_217 = arith.constant 0 : i32
      %dma_wait3A_218 = arith.constant 0 : i32
      %dma_wait3A_219 = tpu.memref_slice %arg7[%dma_wait3A_215, %dma_wait3A_217, %dma_wait3A_218] : memref<4x128x64xf32, #tpu.memory_space<vmem>> -> memref<1x128x64xf32, #tpu.memory_space<vmem>>
      %dma_wait3A_220 = tpu.memref_squeeze %dma_wait3A_219 : memref<1x128x64xf32, #tpu.memory_space<vmem>> -> memref<128x64xf32, #tpu.memory_space<vmem>>
      %dma_wait3A_221 = arith.constant 0 : i32
      %dma_wait3A_222 = tpu.memref_slice %arg6[%dma_wait3A_214, %dma_wait3A_221] : memref<4x128xi32, #tpu.memory_space<vmem>> -> memref<1x128xi32, #tpu.memory_space<vmem>>
      %dma_wait3A_223 = tpu.memref_squeeze %dma_wait3A_222 : memref<1x128xi32, #tpu.memory_space<vmem>> -> memref<128xi32, #tpu.memory_space<vmem>>
      %dma_wait3A_224 = arith.constant 0 : i32
      %dma_wait3A_225 = arith.constant 0 : i32
      %dma_wait3A_226 = tpu.memref_slice %arg3[%dma_wait3A_224, %dma_wait3A_225] : memref<1000000x64xf32, #tpu.memory_space<hbm>> -> memref<1000000x64xf32, #tpu.memory_space<hbm>>
      %dma_wait3A_227 = tpu.memref_slice %arg10[%dma_wait3A_216] : memref<4x!tpu.dma_semaphore, #tpu.memory_space<semaphore_mem>> -> memref<1x!tpu.dma_semaphore, #tpu.memory_space<semaphore_mem>>
      %dma_wait3A_228 = tpu.memref_squeeze %dma_wait3A_227 : memref<1x!tpu.dma_semaphore, #tpu.memory_space<semaphore_mem>> -> memref<!tpu.dma_semaphore, #tpu.memory_space<semaphore_mem>>
      tpu.wait_indirect_dma semaphore(%dma_wait3A_228 : memref<!tpu.dma_semaphore, #tpu.memory_space<semaphore_mem>>) src(%dma_wait3A_226 : memref<1000000x64xf32, #tpu.memory_space<hbm>>) dst(%dma_wait3A_220 : memref<128x64xf32, #tpu.memory_space<vmem>>)
      %mul3A_229 = arith.constant 128 : i32
      %mul3A_230 = arith.muli %add3A_213, %mul3A_229 : i32
      %rem3A = arith.constant 200 : i32
      %rem3A_231 = arith.remsi %mul3A_230, %rem3A : i32
      %scan3A_232 = arith.constant 0 : i32
      %scan3A_233 = arith.constant 0 : i32
      %scan3A_234 = arith.constant 128 : i32
      %scan3A_235 = arith.addi %scan3A_233, %scan3A_234 : i32
      %scan3A_236 = arith.constant 1 : i32
      %scan3A_237 = scf.for %scan3A_419 = %scan3A_233 to %scan3A_235 step %scan3A_236 iter_args(%scan3A_420 = %scan3A_232) -> (i32)  : i32 {
        %add3A_421 = arith.addi %rem3A_231, %scan3A_419 : i32
        %get3A = arith.index_cast %add3A_421 : i32 to index
        %get3A_422 = arith.constant 0 : index
        %get3A_423 = tpu.vector_load %arg8[%get3A, %get3A_422] {strides = array<i32>} : memref<400x64xf32, #tpu.memory_space<vmem>>, vector<1x16xf32>,
        %get3A_424 = vector.shape_cast %get3A_423 : vector<1x16xf32> to vector<16xf32>
        %swap3A = arith.constant 0 : i32
        %swap3A_425 = arith.index_cast %swap3A : i32 to index
        %swap3A_426 = arith.index_cast %scan3A_419 : i32 to index
        %swap3A_427 = arith.constant 0 : index
        %swap3A_428 = tpu.vector_load %arg7[%swap3A_425, %swap3A_426, %swap3A_427] {strides = array<i32>} : memref<4x128x64xf32, #tpu.memory_space<vmem>>, vector<1x1x16xf32>,
        %swap3A_429 = vector.shape_cast %swap3A_428 : vector<1x1x16xf32> to vector<16xf32>
        %swap3A_430 = vector.shape_cast %get3A_424 : vector<16xf32> to vector<1x1x16xf32>
        tpu.vector_store %arg7[%swap3A_425, %swap3A_426, %swap3A_427], %swap3A_430 {add = true, strides = array<i32>} : memref<4x128x64xf32, #tpu.memory_space<vmem>>, vector<1x1x16xf32>,
        %add3A_431 = arith.addi %rem3A_231, %scan3A_419 : i32
        %get3A_432 = arith.index_cast %add3A_431 : i32 to index
        %get3A_433 = arith.constant 16 : index
        %get3A_434 = tpu.vector_load %arg8[%get3A_432, %get3A_433] {strides = array<i32>} : memref<400x64xf32, #tpu.memory_space<vmem>>, vector<1x16xf32>,
        %get3A_435 = vector.shape_cast %get3A_434 : vector<1x16xf32> to vector<16xf32>
        %swap3A_436 = arith.constant 0 : i32
        %swap3A_437 = arith.index_cast %swap3A_436 : i32 to index
        %swap3A_438 = arith.index_cast %scan3A_419 : i32 to index
        %swap3A_439 = arith.constant 16 : index
        %swap3A_440 = tpu.vector_load %arg7[%swap3A_437, %swap3A_438, %swap3A_439] {strides = array<i32>} : memref<4x128x64xf32, #tpu.memory_space<vmem>>, vector<1x1x16xf32>,
        %swap3A_441 = vector.shape_cast %swap3A_440 : vector<1x1x16xf32> to vector<16xf32>
        %swap3A_442 = vector.shape_cast %get3A_435 : vector<16xf32> to vector<1x1x16xf32>
        tpu.vector_store %arg7[%swap3A_437, %swap3A_438, %swap3A_439], %swap3A_442 {add = true, strides = array<i32>} : memref<4x128x64xf32, #tpu.memory_space<vmem>>, vector<1x1x16xf32>,
        %add3A_443 = arith.addi %rem3A_231, %scan3A_419 : i32
        %get3A_444 = arith.index_cast %add3A_443 : i32 to index
        %get3A_445 = arith.constant 32 : index
        %get3A_446 = tpu.vector_load %arg8[%get3A_444, %get3A_445] {strides = array<i32>} : memref<400x64xf32, #tpu.memory_space<vmem>>, vector<1x16xf32>,
        %get3A_447 = vector.shape_cast %get3A_446 : vector<1x16xf32> to vector<16xf32>
        %swap3A_448 = arith.constant 0 : i32
        %swap3A_449 = arith.index_cast %swap3A_448 : i32 to index
        %swap3A_450 = arith.index_cast %scan3A_419 : i32 to index
        %swap3A_451 = arith.constant 32 : index
        %swap3A_452 = tpu.vector_load %arg7[%swap3A_449, %swap3A_450, %swap3A_451] {strides = array<i32>} : memref<4x128x64xf32, #tpu.memory_space<vmem>>, vector<1x1x16xf32>,
        %swap3A_453 = vector.shape_cast %swap3A_452 : vector<1x1x16xf32> to vector<16xf32>
        %swap3A_454 = vector.shape_cast %get3A_447 : vector<16xf32> to vector<1x1x16xf32>
        tpu.vector_store %arg7[%swap3A_449, %swap3A_450, %swap3A_451], %swap3A_454 {add = true, strides = array<i32>} : memref<4x128x64xf32, #tpu.memory_space<vmem>>, vector<1x1x16xf32>,
        %add3A_455 = arith.addi %rem3A_231, %scan3A_419 : i32
        %get3A_456 = arith.index_cast %add3A_455 : i32 to index
        %get3A_457 = arith.constant 48 : index
        %get3A_458 = tpu.vector_load %arg8[%get3A_456, %get3A_457] {strides = array<i32>} : memref<400x64xf32, #tpu.memory_space<vmem>>, vector<1x16xf32>,
        %get3A_459 = vector.shape_cast %get3A_458 : vector<1x16xf32> to vector<16xf32>
        %swap3A_460 = arith.constant 0 : i32
        %swap3A_461 = arith.index_cast %swap3A_460 : i32 to index
        %swap3A_462 = arith.index_cast %scan3A_419 : i32 to index
        %swap3A_463 = arith.constant 48 : index
        %swap3A_464 = tpu.vector_load %arg7[%swap3A_461, %swap3A_462, %swap3A_463] {strides = array<i32>} : memref<4x128x64xf32, #tpu.memory_space<vmem>>, vector<1x1x16xf32>,
        %swap3A_465 = vector.shape_cast %swap3A_464 : vector<1x1x16xf32> to vector<16xf32>
        %swap3A_466 = vector.shape_cast %get3A_459 : vector<16xf32> to vector<1x1x16xf32>
        tpu.vector_store %arg7[%swap3A_461, %swap3A_462, %swap3A_463], %swap3A_466 {add = true, strides = array<i32>} : memref<4x128x64xf32, #tpu.memory_space<vmem>>, vector<1x1x16xf32>,
        %scan3A_467 = arith.constant 0 : i32
        scf.yield %scan3A_467 : i32
      }
      %scan3A_238 = arith.constant 128 : i32
      %mul3A_239 = arith.constant 128 : i32
      %mul3A_240 = arith.muli %add3A_213, %mul3A_239 : i32
      %add3A_241 = arith.addi %mul3A_2, %mul3A_240 : i32
      %dma_start3A_242 = arith.constant 0 : i32
      %dma_start3A_243 = arith.constant 0 : i32
      %dma_start3A_244 = arith.constant 0 : i32
      %dma_start3A_245 = arith.constant 0 : i32
      %dma_start3A_246 = tpu.memref_slice %arg7[%dma_start3A_242, %dma_start3A_244, %dma_start3A_245] : memref<4x128x64xf32, #tpu.memory_space<vmem>> -> memref<1x128x64xf32, #tpu.memory_space<vmem>>
      %dma_start3A_247 = tpu.memref_squeeze %dma_start3A_246 : memref<1x128x64xf32, #tpu.memory_space<vmem>> -> memref<128x64xf32, #tpu.memory_space<vmem>>
      %dma_start3A_248 = arith.constant 0 : i32
      %dma_start3A_249 = tpu.memref_slice %arg5[%add3A_241, %dma_start3A_248] : memref<819200x64xf32, #tpu.memory_space<hbm>> -> memref<128x64xf32, #tpu.memory_space<hbm>>
      %dma_start3A_250 = tpu.memref_slice %arg11[%dma_start3A_243] : memref<4x!tpu.dma_semaphore, #tpu.memory_space<semaphore_mem>> -> memref<1x!tpu.dma_semaphore, #tpu.memory_space<semaphore_mem>>
      %dma_start3A_251 = tpu.memref_squeeze %dma_start3A_250 : memref<1x!tpu.dma_semaphore, #tpu.memory_space<semaphore_mem>> -> memref<!tpu.dma_semaphore, #tpu.memory_space<semaphore_mem>>
      %dma_start3A_252 = arith.constant 0 : i32
      %dma_start3A_253 = tpu.memref_slice %arg5[%add3A_241, %dma_start3A_252] : memref<819200x64xf32, #tpu.memory_space<hbm>> -> memref<128x64xf32, #tpu.memory_space<hbm>>
      %dma_start3A_254 = arith.constant 0 : i32
      %dma_start3A_255 = arith.constant 0 : i32
      %dma_start3A_256 = tpu.memref_slice %arg7[%dma_start3A_242, %dma_start3A_254, %dma_start3A_255] : memref<4x128x64xf32, #tpu.memory_space<vmem>> -> memref<1x128x64xf32, #tpu.memory_space<vmem>>
      %dma_start3A_257 = tpu.memref_squeeze %dma_start3A_256 : memref<1x128x64xf32, #tpu.memory_space<vmem>> -> memref<128x64xf32, #tpu.memory_space<vmem>>
      tpu.enqueue_dma source(%dma_start3A_257 : memref<128x64xf32, #tpu.memory_space<vmem>>) target(%dma_start3A_253 : memref<128x64xf32, #tpu.memory_space<hbm>>) target_semaphore(%dma_start3A_251 : memref<!tpu.dma_semaphore, #tpu.memory_space<semaphore_mem>>)
      %lt3A = arith.constant 49 : i32
      %lt3A_258 = arith.cmpi slt, %scan3A_64, %lt3A : i32
      %convert_element_type3A_259 = arith.extui %lt3A_258 : i1 to i32
      %cond3A_260 = arith.constant 0 : i32
      %cond3A_261 = arith.cmpi ne, %convert_element_type3A_259, %cond3A_260 : i32
      scf.if %cond3A_261 {
        %add3A_419 = arith.constant 4 : i32
        %add3A_420 = arith.addi %add3A_213, %add3A_419 : i32
        %mul3A_421 = arith.constant 128 : i32
        %mul3A_422 = arith.muli %add3A_420, %mul3A_421 : i32
        %add3A_423 = arith.addi %mul3A_2, %mul3A_422 : i32
        %dma_start3A_424 = arith.constant 0 : i32
        %dma_start3A_425 = arith.constant 0 : i32
        %dma_start3A_426 = arith.constant 0 : i32
        %dma_start3A_427 = tpu.memref_slice %arg6[%dma_start3A_424, %dma_start3A_426] : memref<4x128xi32, #tpu.memory_space<vmem>> -> memref<1x128xi32, #tpu.memory_space<vmem>>
        %dma_start3A_428 = tpu.memref_squeeze %dma_start3A_427 : memref<1x128xi32, #tpu.memory_space<vmem>> -> memref<128xi32, #tpu.memory_space<vmem>>
        %dma_start3A_429 = tpu.memref_slice %arg2[%add3A_423] : memref<819200xi32, #tpu.memory_space<hbm>> -> memref<128xi32, #tpu.memory_space<hbm>>
        %dma_start3A_430 = tpu.memref_slice %arg9[%dma_start3A_425] : memref<4x!tpu.dma_semaphore, #tpu.memory_space<semaphore_mem>> -> memref<1x!tpu.dma_semaphore, #tpu.memory_space<semaphore_mem>>
        %dma_start3A_431 = tpu.memref_squeeze %dma_start3A_430 : memref<1x!tpu.dma_semaphore, #tpu.memory_space<semaphore_mem>> -> memref<!tpu.dma_semaphore, #tpu.memory_space<semaphore_mem>>
        %dma_start3A_432 = arith.constant 0 : i32
        %dma_start3A_433 = tpu.memref_slice %arg6[%dma_start3A_424, %dma_start3A_432] : memref<4x128xi32, #tpu.memory_space<vmem>> -> memref<1x128xi32, #tpu.memory_space<vmem>>
        %dma_start3A_434 = tpu.memref_squeeze %dma_start3A_433 : memref<1x128xi32, #tpu.memory_space<vmem>> -> memref<128xi32, #tpu.memory_space<vmem>>
        %dma_start3A_435 = tpu.memref_slice %arg2[%add3A_423] : memref<819200xi32, #tpu.memory_space<hbm>> -> memref<128xi32, #tpu.memory_space<hbm>>
        tpu.enqueue_dma source(%dma_start3A_435 : memref<128xi32, #tpu.memory_space<hbm>>) target(%dma_start3A_434 : memref<128xi32, #tpu.memory_space<vmem>>) target_semaphore(%dma_start3A_431 : memref<!tpu.dma_semaphore, #tpu.memory_space<semaphore_mem>>)
      } else {
      }
      %add3A_262 = arith.constant 1 : i32
      %add3A_263 = arith.addi %mul3A_67, %add3A_262 : i32
      %dma_wait3A_264 = arith.constant 1 : i32
      %dma_wait3A_265 = arith.constant 1 : i32
      %dma_wait3A_266 = arith.constant 1 : i32
      %dma_wait3A_267 = arith.constant 0 : i32
      %dma_wait3A_268 = arith.constant 0 : i32
      %dma_wait3A_269 = tpu.memref_slice %arg7[%dma_wait3A_265, %dma_wait3A_267, %dma_wait3A_268] : memref<4x128x64xf32, #tpu.memory_space<vmem>> -> memref<1x128x64xf32, #tpu.memory_space<vmem>>
      %dma_wait3A_270 = tpu.memref_squeeze %dma_wait3A_269 : memref<1x128x64xf32, #tpu.memory_space<vmem>> -> memref<128x64xf32, #tpu.memory_space<vmem>>
      %dma_wait3A_271 = arith.constant 0 : i32
      %dma_wait3A_272 = tpu.memref_slice %arg6[%dma_wait3A_264, %dma_wait3A_271] : memref<4x128xi32, #tpu.memory_space<vmem>> -> memref<1x128xi32, #tpu.memory_space<vmem>>
      %dma_wait3A_273 = tpu.memref_squeeze %dma_wait3A_272 : memref<1x128xi32, #tpu.memory_space<vmem>> -> memref<128xi32, #tpu.memory_space<vmem>>
      %dma_wait3A_274 = arith.constant 0 : i32
      %dma_wait3A_275 = arith.constant 0 : i32
      %dma_wait3A_276 = tpu.memref_slice %arg3[%dma_wait3A_274, %dma_wait3A_275] : memref<1000000x64xf32, #tpu.memory_space<hbm>> -> memref<1000000x64xf32, #tpu.memory_space<hbm>>
      %dma_wait3A_277 = tpu.memref_slice %arg10[%dma_wait3A_266] : memref<4x!tpu.dma_semaphore, #tpu.memory_space<semaphore_mem>> -> memref<1x!tpu.dma_semaphore, #tpu.memory_space<semaphore_mem>>
      %dma_wait3A_278 = tpu.memref_squeeze %dma_wait3A_277 : memref<1x!tpu.dma_semaphore, #tpu.memory_space<semaphore_mem>> -> memref<!tpu.dma_semaphore, #tpu.memory_space<semaphore_mem>>
      tpu.wait_indirect_dma semaphore(%dma_wait3A_278 : memref<!tpu.dma_semaphore, #tpu.memory_space<semaphore_mem>>) src(%dma_wait3A_276 : memref<1000000x64xf32, #tpu.memory_space<hbm>>) dst(%dma_wait3A_270 : memref<128x64xf32, #tpu.memory_space<vmem>>)
      %mul3A_279 = arith.constant 128 : i32
      %mul3A_280 = arith.muli %add3A_263, %mul3A_279 : i32
      %rem3A_281 = arith.constant 200 : i32
      %rem3A_282 = arith.remsi %mul3A_280, %rem3A_281 : i32
      %scan3A_283 = arith.constant 0 : i32
      %scan3A_284 = arith.constant 0 : i32
      %scan3A_285 = arith.constant 128 : i32
      %scan3A_286 = arith.addi %scan3A_284, %scan3A_285 : i32
      %scan3A_287 = arith.constant 1 : i32
      %scan3A_288 = scf.for %scan3A_419 = %scan3A_284 to %scan3A_286 step %scan3A_287 iter_args(%scan3A_420 = %scan3A_283) -> (i32)  : i32 {
        %add3A_421 = arith.addi %rem3A_282, %scan3A_419 : i32
        %get3A = arith.index_cast %add3A_421 : i32 to index
        %get3A_422 = arith.constant 0 : index
        %get3A_423 = tpu.vector_load %arg8[%get3A, %get3A_422] {strides = array<i32>} : memref<400x64xf32, #tpu.memory_space<vmem>>, vector<1x16xf32>,
        %get3A_424 = vector.shape_cast %get3A_423 : vector<1x16xf32> to vector<16xf32>
        %swap3A = arith.constant 1 : i32
        %swap3A_425 = arith.index_cast %swap3A : i32 to index
        %swap3A_426 = arith.index_cast %scan3A_419 : i32 to index
        %swap3A_427 = arith.constant 0 : index
        %swap3A_428 = tpu.vector_load %arg7[%swap3A_425, %swap3A_426, %swap3A_427] {strides = array<i32>} : memref<4x128x64xf32, #tpu.memory_space<vmem>>, vector<1x1x16xf32>,
        %swap3A_429 = vector.shape_cast %swap3A_428 : vector<1x1x16xf32> to vector<16xf32>
        %swap3A_430 = vector.shape_cast %get3A_424 : vector<16xf32> to vector<1x1x16xf32>
        tpu.vector_store %arg7[%swap3A_425, %swap3A_426, %swap3A_427], %swap3A_430 {add = true, strides = array<i32>} : memref<4x128x64xf32, #tpu.memory_space<vmem>>, vector<1x1x16xf32>,
        %add3A_431 = arith.addi %rem3A_282, %scan3A_419 : i32
        %get3A_432 = arith.index_cast %add3A_431 : i32 to index
        %get3A_433 = arith.constant 16 : index
        %get3A_434 = tpu.vector_load %arg8[%get3A_432, %get3A_433] {strides = array<i32>} : memref<400x64xf32, #tpu.memory_space<vmem>>, vector<1x16xf32>,
        %get3A_435 = vector.shape_cast %get3A_434 : vector<1x16xf32> to vector<16xf32>
        %swap3A_436 = arith.constant 1 : i32
        %swap3A_437 = arith.index_cast %swap3A_436 : i32 to index
        %swap3A_438 = arith.index_cast %scan3A_419 : i32 to index
        %swap3A_439 = arith.constant 16 : index
        %swap3A_440 = tpu.vector_load %arg7[%swap3A_437, %swap3A_438, %swap3A_439] {strides = array<i32>} : memref<4x128x64xf32, #tpu.memory_space<vmem>>, vector<1x1x16xf32>,
        %swap3A_441 = vector.shape_cast %swap3A_440 : vector<1x1x16xf32> to vector<16xf32>
        %swap3A_442 = vector.shape_cast %get3A_435 : vector<16xf32> to vector<1x1x16xf32>
        tpu.vector_store %arg7[%swap3A_437, %swap3A_438, %swap3A_439], %swap3A_442 {add = true, strides = array<i32>} : memref<4x128x64xf32, #tpu.memory_space<vmem>>, vector<1x1x16xf32>,
        %add3A_443 = arith.addi %rem3A_282, %scan3A_419 : i32
        %get3A_444 = arith.index_cast %add3A_443 : i32 to index
        %get3A_445 = arith.constant 32 : index
        %get3A_446 = tpu.vector_load %arg8[%get3A_444, %get3A_445] {strides = array<i32>} : memref<400x64xf32, #tpu.memory_space<vmem>>, vector<1x16xf32>,
        %get3A_447 = vector.shape_cast %get3A_446 : vector<1x16xf32> to vector<16xf32>
        %swap3A_448 = arith.constant 1 : i32
        %swap3A_449 = arith.index_cast %swap3A_448 : i32 to index
        %swap3A_450 = arith.index_cast %scan3A_419 : i32 to index
        %swap3A_451 = arith.constant 32 : index
        %swap3A_452 = tpu.vector_load %arg7[%swap3A_449, %swap3A_450, %swap3A_451] {strides = array<i32>} : memref<4x128x64xf32, #tpu.memory_space<vmem>>, vector<1x1x16xf32>,
        %swap3A_453 = vector.shape_cast %swap3A_452 : vector<1x1x16xf32> to vector<16xf32>
        %swap3A_454 = vector.shape_cast %get3A_447 : vector<16xf32> to vector<1x1x16xf32>
        tpu.vector_store %arg7[%swap3A_449, %swap3A_450, %swap3A_451], %swap3A_454 {add = true, strides = array<i32>} : memref<4x128x64xf32, #tpu.memory_space<vmem>>, vector<1x1x16xf32>,
        %add3A_455 = arith.addi %rem3A_282, %scan3A_419 : i32
        %get3A_456 = arith.index_cast %add3A_455 : i32 to index
        %get3A_457 = arith.constant 48 : index
        %get3A_458 = tpu.vector_load %arg8[%get3A_456, %get3A_457] {strides = array<i32>} : memref<400x64xf32, #tpu.memory_space<vmem>>, vector<1x16xf32>,
        %get3A_459 = vector.shape_cast %get3A_458 : vector<1x16xf32> to vector<16xf32>
        %swap3A_460 = arith.constant 1 : i32
        %swap3A_461 = arith.index_cast %swap3A_460 : i32 to index
        %swap3A_462 = arith.index_cast %scan3A_419 : i32 to index
        %swap3A_463 = arith.constant 48 : index
        %swap3A_464 = tpu.vector_load %arg7[%swap3A_461, %swap3A_462, %swap3A_463] {strides = array<i32>} : memref<4x128x64xf32, #tpu.memory_space<vmem>>, vector<1x1x16xf32>,
        %swap3A_465 = vector.shape_cast %swap3A_464 : vector<1x1x16xf32> to vector<16xf32>
        %swap3A_466 = vector.shape_cast %get3A_459 : vector<16xf32> to vector<1x1x16xf32>
        tpu.vector_store %arg7[%swap3A_461, %swap3A_462, %swap3A_463], %swap3A_466 {add = true, strides = array<i32>} : memref<4x128x64xf32, #tpu.memory_space<vmem>>, vector<1x1x16xf32>,
        %scan3A_467 = arith.constant 0 : i32
        scf.yield %scan3A_467 : i32
      }
      %scan3A_289 = arith.constant 128 : i32
      %mul3A_290 = arith.constant 128 : i32
      %mul3A_291 = arith.muli %add3A_263, %mul3A_290 : i32
      %add3A_292 = arith.addi %mul3A_2, %mul3A_291 : i32
      %dma_start3A_293 = arith.constant 1 : i32
      %dma_start3A_294 = arith.constant 1 : i32
      %dma_start3A_295 = arith.constant 0 : i32
      %dma_start3A_296 = arith.constant 0 : i32
      %dma_start3A_297 = tpu.memref_slice %arg7[%dma_start3A_293, %dma_start3A_295, %dma_start3A_296] : memref<4x128x64xf32, #tpu.memory_space<vmem>> -> memref<1x128x64xf32, #tpu.memory_space<vmem>>
      %dma_start3A_298 = tpu.memref_squeeze %dma_start3A_297 : memref<1x128x64xf32, #tpu.memory_space<vmem>> -> memref<128x64xf32, #tpu.memory_space<vmem>>
      %dma_start3A_299 = arith.constant 0 : i32
      %dma_start3A_300 = tpu.memref_slice %arg5[%add3A_292, %dma_start3A_299] : memref<819200x64xf32, #tpu.memory_space<hbm>> -> memref<128x64xf32, #tpu.memory_space<hbm>>
      %dma_start3A_301 = tpu.memref_slice %arg11[%dma_start3A_294] : memref<4x!tpu.dma_semaphore, #tpu.memory_space<semaphore_mem>> -> memref<1x!tpu.dma_semaphore, #tpu.memory_space<semaphore_mem>>
      %dma_start3A_302 = tpu.memref_squeeze %dma_start3A_301 : memref<1x!tpu.dma_semaphore, #tpu.memory_space<semaphore_mem>> -> memref<!tpu.dma_semaphore, #tpu.memory_space<semaphore_mem>>
      %dma_start3A_303 = arith.constant 0 : i32
      %dma_start3A_304 = tpu.memref_slice %arg5[%add3A_292, %dma_start3A_303] : memref<819200x64xf32, #tpu.memory_space<hbm>> -> memref<128x64xf32, #tpu.memory_space<hbm>>
      %dma_start3A_305 = arith.constant 0 : i32
      %dma_start3A_306 = arith.constant 0 : i32
      %dma_start3A_307 = tpu.memref_slice %arg7[%dma_start3A_293, %dma_start3A_305, %dma_start3A_306] : memref<4x128x64xf32, #tpu.memory_space<vmem>> -> memref<1x128x64xf32, #tpu.memory_space<vmem>>
      %dma_start3A_308 = tpu.memref_squeeze %dma_start3A_307 : memref<1x128x64xf32, #tpu.memory_space<vmem>> -> memref<128x64xf32, #tpu.memory_space<vmem>>
      tpu.enqueue_dma source(%dma_start3A_308 : memref<128x64xf32, #tpu.memory_space<vmem>>) target(%dma_start3A_304 : memref<128x64xf32, #tpu.memory_space<hbm>>) target_semaphore(%dma_start3A_302 : memref<!tpu.dma_semaphore, #tpu.memory_space<semaphore_mem>>)
      %lt3A_309 = arith.constant 49 : i32
      %lt3A_310 = arith.cmpi slt, %scan3A_64, %lt3A_309 : i32
      %convert_element_type3A_311 = arith.extui %lt3A_310 : i1 to i32
      %cond3A_312 = arith.constant 0 : i32
      %cond3A_313 = arith.cmpi ne, %convert_element_type3A_311, %cond3A_312 : i32
      scf.if %cond3A_313 {
        %add3A_419 = arith.constant 4 : i32
        %add3A_420 = arith.addi %add3A_263, %add3A_419 : i32
        %mul3A_421 = arith.constant 128 : i32
        %mul3A_422 = arith.muli %add3A_420, %mul3A_421 : i32
        %add3A_423 = arith.addi %mul3A_2, %mul3A_422 : i32
        %dma_start3A_424 = arith.constant 1 : i32
        %dma_start3A_425 = arith.constant 1 : i32
        %dma_start3A_426 = arith.constant 0 : i32
        %dma_start3A_427 = tpu.memref_slice %arg6[%dma_start3A_424, %dma_start3A_426] : memref<4x128xi32, #tpu.memory_space<vmem>> -> memref<1x128xi32, #tpu.memory_space<vmem>>
        %dma_start3A_428 = tpu.memref_squeeze %dma_start3A_427 : memref<1x128xi32, #tpu.memory_space<vmem>> -> memref<128xi32, #tpu.memory_space<vmem>>
        %dma_start3A_429 = tpu.memref_slice %arg2[%add3A_423] : memref<819200xi32, #tpu.memory_space<hbm>> -> memref<128xi32, #tpu.memory_space<hbm>>
        %dma_start3A_430 = tpu.memref_slice %arg9[%dma_start3A_425] : memref<4x!tpu.dma_semaphore, #tpu.memory_space<semaphore_mem>> -> memref<1x!tpu.dma_semaphore, #tpu.memory_space<semaphore_mem>>
        %dma_start3A_431 = tpu.memref_squeeze %dma_start3A_430 : memref<1x!tpu.dma_semaphore, #tpu.memory_space<semaphore_mem>> -> memref<!tpu.dma_semaphore, #tpu.memory_space<semaphore_mem>>
        %dma_start3A_432 = arith.constant 0 : i32
        %dma_start3A_433 = tpu.memref_slice %arg6[%dma_start3A_424, %dma_start3A_432] : memref<4x128xi32, #tpu.memory_space<vmem>> -> memref<1x128xi32, #tpu.memory_space<vmem>>
        %dma_start3A_434 = tpu.memref_squeeze %dma_start3A_433 : memref<1x128xi32, #tpu.memory_space<vmem>> -> memref<128xi32, #tpu.memory_space<vmem>>
        %dma_start3A_435 = tpu.memref_slice %arg2[%add3A_423] : memref<819200xi32, #tpu.memory_space<hbm>> -> memref<128xi32, #tpu.memory_space<hbm>>
        tpu.enqueue_dma source(%dma_start3A_435 : memref<128xi32, #tpu.memory_space<hbm>>) target(%dma_start3A_434 : memref<128xi32, #tpu.memory_space<vmem>>) target_semaphore(%dma_start3A_431 : memref<!tpu.dma_semaphore, #tpu.memory_space<semaphore_mem>>)
      } else {
      }
      %add3A_314 = arith.constant 2 : i32
      %add3A_315 = arith.addi %mul3A_67, %add3A_314 : i32
      %dma_wait3A_316 = arith.constant 2 : i32
      %dma_wait3A_317 = arith.constant 2 : i32
      %dma_wait3A_318 = arith.constant 2 : i32
      %dma_wait3A_319 = arith.constant 0 : i32
      %dma_wait3A_320 = arith.constant 0 : i32
      %dma_wait3A_321 = tpu.memref_slice %arg7[%dma_wait3A_317, %dma_wait3A_319, %dma_wait3A_320] : memref<4x128x64xf32, #tpu.memory_space<vmem>> -> memref<1x128x64xf32, #tpu.memory_space<vmem>>
      %dma_wait3A_322 = tpu.memref_squeeze %dma_wait3A_321 : memref<1x128x64xf32, #tpu.memory_space<vmem>> -> memref<128x64xf32, #tpu.memory_space<vmem>>
      %dma_wait3A_323 = arith.constant 0 : i32
      %dma_wait3A_324 = tpu.memref_slice %arg6[%dma_wait3A_316, %dma_wait3A_323] : memref<4x128xi32, #tpu.memory_space<vmem>> -> memref<1x128xi32, #tpu.memory_space<vmem>>
      %dma_wait3A_325 = tpu.memref_squeeze %dma_wait3A_324 : memref<1x128xi32, #tpu.memory_space<vmem>> -> memref<128xi32, #tpu.memory_space<vmem>>
      %dma_wait3A_326 = arith.constant 0 : i32
      %dma_wait3A_327 = arith.constant 0 : i32
      %dma_wait3A_328 = tpu.memref_slice %arg3[%dma_wait3A_326, %dma_wait3A_327] : memref<1000000x64xf32, #tpu.memory_space<hbm>> -> memref<1000000x64xf32, #tpu.memory_space<hbm>>
      %dma_wait3A_329 = tpu.memref_slice %arg10[%dma_wait3A_318] : memref<4x!tpu.dma_semaphore, #tpu.memory_space<semaphore_mem>> -> memref<1x!tpu.dma_semaphore, #tpu.memory_space<semaphore_mem>>
      %dma_wait3A_330 = tpu.memref_squeeze %dma_wait3A_329 : memref<1x!tpu.dma_semaphore, #tpu.memory_space<semaphore_mem>> -> memref<!tpu.dma_semaphore, #tpu.memory_space<semaphore_mem>>
      tpu.wait_indirect_dma semaphore(%dma_wait3A_330 : memref<!tpu.dma_semaphore, #tpu.memory_space<semaphore_mem>>) src(%dma_wait3A_328 : memref<1000000x64xf32, #tpu.memory_space<hbm>>) dst(%dma_wait3A_322 : memref<128x64xf32, #tpu.memory_space<vmem>>)
      %mul3A_331 = arith.constant 128 : i32
      %mul3A_332 = arith.muli %add3A_315, %mul3A_331 : i32
      %rem3A_333 = arith.constant 200 : i32
      %rem3A_334 = arith.remsi %mul3A_332, %rem3A_333 : i32
      %scan3A_335 = arith.constant 0 : i32
      %scan3A_336 = arith.constant 0 : i32
      %scan3A_337 = arith.constant 128 : i32
      %scan3A_338 = arith.addi %scan3A_336, %scan3A_337 : i32
      %scan3A_339 = arith.constant 1 : i32
      %scan3A_340 = scf.for %scan3A_419 = %scan3A_336 to %scan3A_338 step %scan3A_339 iter_args(%scan3A_420 = %scan3A_335) -> (i32)  : i32 {
        %add3A_421 = arith.addi %rem3A_334, %scan3A_419 : i32
        %get3A = arith.index_cast %add3A_421 : i32 to index
        %get3A_422 = arith.constant 0 : index
        %get3A_423 = tpu.vector_load %arg8[%get3A, %get3A_422] {strides = array<i32>} : memref<400x64xf32, #tpu.memory_space<vmem>>, vector<1x16xf32>,
        %get3A_424 = vector.shape_cast %get3A_423 : vector<1x16xf32> to vector<16xf32>
        %swap3A = arith.constant 2 : i32
        %swap3A_425 = arith.index_cast %swap3A : i32 to index
        %swap3A_426 = arith.index_cast %scan3A_419 : i32 to index
        %swap3A_427 = arith.constant 0 : index
        %swap3A_428 = tpu.vector_load %arg7[%swap3A_425, %swap3A_426, %swap3A_427] {strides = array<i32>} : memref<4x128x64xf32, #tpu.memory_space<vmem>>, vector<1x1x16xf32>,
        %swap3A_429 = vector.shape_cast %swap3A_428 : vector<1x1x16xf32> to vector<16xf32>
        %swap3A_430 = vector.shape_cast %get3A_424 : vector<16xf32> to vector<1x1x16xf32>
        tpu.vector_store %arg7[%swap3A_425, %swap3A_426, %swap3A_427], %swap3A_430 {add = true, strides = array<i32>} : memref<4x128x64xf32, #tpu.memory_space<vmem>>, vector<1x1x16xf32>,
        %add3A_431 = arith.addi %rem3A_334, %scan3A_419 : i32
        %get3A_432 = arith.index_cast %add3A_431 : i32 to index
        %get3A_433 = arith.constant 16 : index
        %get3A_434 = tpu.vector_load %arg8[%get3A_432, %get3A_433] {strides = array<i32>} : memref<400x64xf32, #tpu.memory_space<vmem>>, vector<1x16xf32>,
        %get3A_435 = vector.shape_cast %get3A_434 : vector<1x16xf32> to vector<16xf32>
        %swap3A_436 = arith.constant 2 : i32
        %swap3A_437 = arith.index_cast %swap3A_436 : i32 to index
        %swap3A_438 = arith.index_cast %scan3A_419 : i32 to index
        %swap3A_439 = arith.constant 16 : index
        %swap3A_440 = tpu.vector_load %arg7[%swap3A_437, %swap3A_438, %swap3A_439] {strides = array<i32>} : memref<4x128x64xf32, #tpu.memory_space<vmem>>, vector<1x1x16xf32>,
        %swap3A_441 = vector.shape_cast %swap3A_440 : vector<1x1x16xf32> to vector<16xf32>
        %swap3A_442 = vector.shape_cast %get3A_435 : vector<16xf32> to vector<1x1x16xf32>
        tpu.vector_store %arg7[%swap3A_437, %swap3A_438, %swap3A_439], %swap3A_442 {add = true, strides = array<i32>} : memref<4x128x64xf32, #tpu.memory_space<vmem>>, vector<1x1x16xf32>,
        %add3A_443 = arith.addi %rem3A_334, %scan3A_419 : i32
        %get3A_444 = arith.index_cast %add3A_443 : i32 to index
        %get3A_445 = arith.constant 32 : index
        %get3A_446 = tpu.vector_load %arg8[%get3A_444, %get3A_445] {strides = array<i32>} : memref<400x64xf32, #tpu.memory_space<vmem>>, vector<1x16xf32>,
        %get3A_447 = vector.shape_cast %get3A_446 : vector<1x16xf32> to vector<16xf32>
        %swap3A_448 = arith.constant 2 : i32
        %swap3A_449 = arith.index_cast %swap3A_448 : i32 to index
        %swap3A_450 = arith.index_cast %scan3A_419 : i32 to index
        %swap3A_451 = arith.constant 32 : index
        %swap3A_452 = tpu.vector_load %arg7[%swap3A_449, %swap3A_450, %swap3A_451] {strides = array<i32>} : memref<4x128x64xf32, #tpu.memory_space<vmem>>, vector<1x1x16xf32>,
        %swap3A_453 = vector.shape_cast %swap3A_452 : vector<1x1x16xf32> to vector<16xf32>
        %swap3A_454 = vector.shape_cast %get3A_447 : vector<16xf32> to vector<1x1x16xf32>
        tpu.vector_store %arg7[%swap3A_449, %swap3A_450, %swap3A_451], %swap3A_454 {add = true, strides = array<i32>} : memref<4x128x64xf32, #tpu.memory_space<vmem>>, vector<1x1x16xf32>,
        %add3A_455 = arith.addi %rem3A_334, %scan3A_419 : i32
        %get3A_456 = arith.index_cast %add3A_455 : i32 to index
        %get3A_457 = arith.constant 48 : index
        %get3A_458 = tpu.vector_load %arg8[%get3A_456, %get3A_457] {strides = array<i32>} : memref<400x64xf32, #tpu.memory_space<vmem>>, vector<1x16xf32>,
        %get3A_459 = vector.shape_cast %get3A_458 : vector<1x16xf32> to vector<16xf32>
        %swap3A_460 = arith.constant 2 : i32
        %swap3A_461 = arith.index_cast %swap3A_460 : i32 to index
        %swap3A_462 = arith.index_cast %scan3A_419 : i32 to index
        %swap3A_463 = arith.constant 48 : index
        %swap3A_464 = tpu.vector_load %arg7[%swap3A_461, %swap3A_462, %swap3A_463] {strides = array<i32>} : memref<4x128x64xf32, #tpu.memory_space<vmem>>, vector<1x1x16xf32>,
        %swap3A_465 = vector.shape_cast %swap3A_464 : vector<1x1x16xf32> to vector<16xf32>
        %swap3A_466 = vector.shape_cast %get3A_459 : vector<16xf32> to vector<1x1x16xf32>
        tpu.vector_store %arg7[%swap3A_461, %swap3A_462, %swap3A_463], %swap3A_466 {add = true, strides = array<i32>} : memref<4x128x64xf32, #tpu.memory_space<vmem>>, vector<1x1x16xf32>,
        %scan3A_467 = arith.constant 0 : i32
        scf.yield %scan3A_467 : i32
      }
      %scan3A_341 = arith.constant 128 : i32
      %mul3A_342 = arith.constant 128 : i32
      %mul3A_343 = arith.muli %add3A_315, %mul3A_342 : i32
      %add3A_344 = arith.addi %mul3A_2, %mul3A_343 : i32
      %dma_start3A_345 = arith.constant 2 : i32
      %dma_start3A_346 = arith.constant 2 : i32
      %dma_start3A_347 = arith.constant 0 : i32
      %dma_start3A_348 = arith.constant 0 : i32
      %dma_start3A_349 = tpu.memref_slice %arg7[%dma_start3A_345, %dma_start3A_347, %dma_start3A_348] : memref<4x128x64xf32, #tpu.memory_space<vmem>> -> memref<1x128x64xf32, #tpu.memory_space<vmem>>
      %dma_start3A_350 = tpu.memref_squeeze %dma_start3A_349 : memref<1x128x64xf32, #tpu.memory_space<vmem>> -> memref<128x64xf32, #tpu.memory_space<vmem>>
      %dma_start3A_351 = arith.constant 0 : i32
      %dma_start3A_352 = tpu.memref_slice %arg5[%add3A_344, %dma_start3A_351] : memref<819200x64xf32, #tpu.memory_space<hbm>> -> memref<128x64xf32, #tpu.memory_space<hbm>>
      %dma_start3A_353 = tpu.memref_slice %arg11[%dma_start3A_346] : memref<4x!tpu.dma_semaphore, #tpu.memory_space<semaphore_mem>> -> memref<1x!tpu.dma_semaphore, #tpu.memory_space<semaphore_mem>>
      %dma_start3A_354 = tpu.memref_squeeze %dma_start3A_353 : memref<1x!tpu.dma_semaphore, #tpu.memory_space<semaphore_mem>> -> memref<!tpu.dma_semaphore, #tpu.memory_space<semaphore_mem>>
      %dma_start3A_355 = arith.constant 0 : i32
      %dma_start3A_356 = tpu.memref_slice %arg5[%add3A_344, %dma_start3A_355] : memref<819200x64xf32, #tpu.memory_space<hbm>> -> memref<128x64xf32, #tpu.memory_space<hbm>>
      %dma_start3A_357 = arith.constant 0 : i32
      %dma_start3A_358 = arith.constant 0 : i32
      %dma_start3A_359 = tpu.memref_slice %arg7[%dma_start3A_345, %dma_start3A_357, %dma_start3A_358] : memref<4x128x64xf32, #tpu.memory_space<vmem>> -> memref<1x128x64xf32, #tpu.memory_space<vmem>>
      %dma_start3A_360 = tpu.memref_squeeze %dma_start3A_359 : memref<1x128x64xf32, #tpu.memory_space<vmem>> -> memref<128x64xf32, #tpu.memory_space<vmem>>
      tpu.enqueue_dma source(%dma_start3A_360 : memref<128x64xf32, #tpu.memory_space<vmem>>) target(%dma_start3A_356 : memref<128x64xf32, #tpu.memory_space<hbm>>) target_semaphore(%dma_start3A_354 : memref<!tpu.dma_semaphore, #tpu.memory_space<semaphore_mem>>)
      %lt3A_361 = arith.constant 49 : i32
      %lt3A_362 = arith.cmpi slt, %scan3A_64, %lt3A_361 : i32
      %convert_element_type3A_363 = arith.extui %lt3A_362 : i1 to i32
      %cond3A_364 = arith.constant 0 : i32
      %cond3A_365 = arith.cmpi ne, %convert_element_type3A_363, %cond3A_364 : i32
      scf.if %cond3A_365 {
        %add3A_419 = arith.constant 4 : i32
        %add3A_420 = arith.addi %add3A_315, %add3A_419 : i32
        %mul3A_421 = arith.constant 128 : i32
        %mul3A_422 = arith.muli %add3A_420, %mul3A_421 : i32
        %add3A_423 = arith.addi %mul3A_2, %mul3A_422 : i32
        %dma_start3A_424 = arith.constant 2 : i32
        %dma_start3A_425 = arith.constant 2 : i32
        %dma_start3A_426 = arith.constant 0 : i32
        %dma_start3A_427 = tpu.memref_slice %arg6[%dma_start3A_424, %dma_start3A_426] : memref<4x128xi32, #tpu.memory_space<vmem>> -> memref<1x128xi32, #tpu.memory_space<vmem>>
        %dma_start3A_428 = tpu.memref_squeeze %dma_start3A_427 : memref<1x128xi32, #tpu.memory_space<vmem>> -> memref<128xi32, #tpu.memory_space<vmem>>
        %dma_start3A_429 = tpu.memref_slice %arg2[%add3A_423] : memref<819200xi32, #tpu.memory_space<hbm>> -> memref<128xi32, #tpu.memory_space<hbm>>
        %dma_start3A_430 = tpu.memref_slice %arg9[%dma_start3A_425] : memref<4x!tpu.dma_semaphore, #tpu.memory_space<semaphore_mem>> -> memref<1x!tpu.dma_semaphore, #tpu.memory_space<semaphore_mem>>
        %dma_start3A_431 = tpu.memref_squeeze %dma_start3A_430 : memref<1x!tpu.dma_semaphore, #tpu.memory_space<semaphore_mem>> -> memref<!tpu.dma_semaphore, #tpu.memory_space<semaphore_mem>>
        %dma_start3A_432 = arith.constant 0 : i32
        %dma_start3A_433 = tpu.memref_slice %arg6[%dma_start3A_424, %dma_start3A_432] : memref<4x128xi32, #tpu.memory_space<vmem>> -> memref<1x128xi32, #tpu.memory_space<vmem>>
        %dma_start3A_434 = tpu.memref_squeeze %dma_start3A_433 : memref<1x128xi32, #tpu.memory_space<vmem>> -> memref<128xi32, #tpu.memory_space<vmem>>
        %dma_start3A_435 = tpu.memref_slice %arg2[%add3A_423] : memref<819200xi32, #tpu.memory_space<hbm>> -> memref<128xi32, #tpu.memory_space<hbm>>
        tpu.enqueue_dma source(%dma_start3A_435 : memref<128xi32, #tpu.memory_space<hbm>>) target(%dma_start3A_434 : memref<128xi32, #tpu.memory_space<vmem>>) target_semaphore(%dma_start3A_431 : memref<!tpu.dma_semaphore, #tpu.memory_space<semaphore_mem>>)
      } else {
      }
      %add3A_366 = arith.constant 3 : i32
      %add3A_367 = arith.addi %mul3A_67, %add3A_366 : i32
      %dma_wait3A_368 = arith.constant 3 : i32
      %dma_wait3A_369 = arith.constant 3 : i32
      %dma_wait3A_370 = arith.constant 3 : i32
      %dma_wait3A_371 = arith.constant 0 : i32
      %dma_wait3A_372 = arith.constant 0 : i32
      %dma_wait3A_373 = tpu.memref_slice %arg7[%dma_wait3A_369, %dma_wait3A_371, %dma_wait3A_372] : memref<4x128x64xf32, #tpu.memory_space<vmem>> -> memref<1x128x64xf32, #tpu.memory_space<vmem>>
      %dma_wait3A_374 = tpu.memref_squeeze %dma_wait3A_373 : memref<1x128x64xf32, #tpu.memory_space<vmem>> -> memref<128x64xf32, #tpu.memory_space<vmem>>
      %dma_wait3A_375 = arith.constant 0 : i32
      %dma_wait3A_376 = tpu.memref_slice %arg6[%dma_wait3A_368, %dma_wait3A_375] : memref<4x128xi32, #tpu.memory_space<vmem>> -> memref<1x128xi32, #tpu.memory_space<vmem>>
      %dma_wait3A_377 = tpu.memref_squeeze %dma_wait3A_376 : memref<1x128xi32, #tpu.memory_space<vmem>> -> memref<128xi32, #tpu.memory_space<vmem>>
      %dma_wait3A_378 = arith.constant 0 : i32
      %dma_wait3A_379 = arith.constant 0 : i32
      %dma_wait3A_380 = tpu.memref_slice %arg3[%dma_wait3A_378, %dma_wait3A_379] : memref<1000000x64xf32, #tpu.memory_space<hbm>> -> memref<1000000x64xf32, #tpu.memory_space<hbm>>
      %dma_wait3A_381 = tpu.memref_slice %arg10[%dma_wait3A_370] : memref<4x!tpu.dma_semaphore, #tpu.memory_space<semaphore_mem>> -> memref<1x!tpu.dma_semaphore, #tpu.memory_space<semaphore_mem>>
      %dma_wait3A_382 = tpu.memref_squeeze %dma_wait3A_381 : memref<1x!tpu.dma_semaphore, #tpu.memory_space<semaphore_mem>> -> memref<!tpu.dma_semaphore, #tpu.memory_space<semaphore_mem>>
      tpu.wait_indirect_dma semaphore(%dma_wait3A_382 : memref<!tpu.dma_semaphore, #tpu.memory_space<semaphore_mem>>) src(%dma_wait3A_380 : memref<1000000x64xf32, #tpu.memory_space<hbm>>) dst(%dma_wait3A_374 : memref<128x64xf32, #tpu.memory_space<vmem>>)
      %mul3A_383 = arith.constant 128 : i32
      %mul3A_384 = arith.muli %add3A_367, %mul3A_383 : i32
      %rem3A_385 = arith.constant 200 : i32
      %rem3A_386 = arith.remsi %mul3A_384, %rem3A_385 : i32
      %scan3A_387 = arith.constant 0 : i32
      %scan3A_388 = arith.constant 0 : i32
      %scan3A_389 = arith.constant 128 : i32
      %scan3A_390 = arith.addi %scan3A_388, %scan3A_389 : i32
      %scan3A_391 = arith.constant 1 : i32
      %scan3A_392 = scf.for %scan3A_419 = %scan3A_388 to %scan3A_390 step %scan3A_391 iter_args(%scan3A_420 = %scan3A_387) -> (i32)  : i32 {
        %add3A_421 = arith.addi %rem3A_386, %scan3A_419 : i32
        %get3A = arith.index_cast %add3A_421 : i32 to index
        %get3A_422 = arith.constant 0 : index
        %get3A_423 = tpu.vector_load %arg8[%get3A, %get3A_422] {strides = array<i32>} : memref<400x64xf32, #tpu.memory_space<vmem>>, vector<1x16xf32>,
        %get3A_424 = vector.shape_cast %get3A_423 : vector<1x16xf32> to vector<16xf32>
        %swap3A = arith.constant 3 : i32
        %swap3A_425 = arith.index_cast %swap3A : i32 to index
        %swap3A_426 = arith.index_cast %scan3A_419 : i32 to index
        %swap3A_427 = arith.constant 0 : index
        %swap3A_428 = tpu.vector_load %arg7[%swap3A_425, %swap3A_426, %swap3A_427] {strides = array<i32>} : memref<4x128x64xf32, #tpu.memory_space<vmem>>, vector<1x1x16xf32>,
        %swap3A_429 = vector.shape_cast %swap3A_428 : vector<1x1x16xf32> to vector<16xf32>
        %swap3A_430 = vector.shape_cast %get3A_424 : vector<16xf32> to vector<1x1x16xf32>
        tpu.vector_store %arg7[%swap3A_425, %swap3A_426, %swap3A_427], %swap3A_430 {add = true, strides = array<i32>} : memref<4x128x64xf32, #tpu.memory_space<vmem>>, vector<1x1x16xf32>,
        %add3A_431 = arith.addi %rem3A_386, %scan3A_419 : i32
        %get3A_432 = arith.index_cast %add3A_431 : i32 to index
        %get3A_433 = arith.constant 16 : index
        %get3A_434 = tpu.vector_load %arg8[%get3A_432, %get3A_433] {strides = array<i32>} : memref<400x64xf32, #tpu.memory_space<vmem>>, vector<1x16xf32>,
        %get3A_435 = vector.shape_cast %get3A_434 : vector<1x16xf32> to vector<16xf32>
        %swap3A_436 = arith.constant 3 : i32
        %swap3A_437 = arith.index_cast %swap3A_436 : i32 to index
        %swap3A_438 = arith.index_cast %scan3A_419 : i32 to index
        %swap3A_439 = arith.constant 16 : index
        %swap3A_440 = tpu.vector_load %arg7[%swap3A_437, %swap3A_438, %swap3A_439] {strides = array<i32>} : memref<4x128x64xf32, #tpu.memory_space<vmem>>, vector<1x1x16xf32>,
        %swap3A_441 = vector.shape_cast %swap3A_440 : vector<1x1x16xf32> to vector<16xf32>
        %swap3A_442 = vector.shape_cast %get3A_435 : vector<16xf32> to vector<1x1x16xf32>
        tpu.vector_store %arg7[%swap3A_437, %swap3A_438, %swap3A_439], %swap3A_442 {add = true, strides = array<i32>} : memref<4x128x64xf32, #tpu.memory_space<vmem>>, vector<1x1x16xf32>,
        %add3A_443 = arith.addi %rem3A_386, %scan3A_419 : i32
        %get3A_444 = arith.index_cast %add3A_443 : i32 to index
        %get3A_445 = arith.constant 32 : index
        %get3A_446 = tpu.vector_load %arg8[%get3A_444, %get3A_445] {strides = array<i32>} : memref<400x64xf32, #tpu.memory_space<vmem>>, vector<1x16xf32>,
        %get3A_447 = vector.shape_cast %get3A_446 : vector<1x16xf32> to vector<16xf32>
        %swap3A_448 = arith.constant 3 : i32
        %swap3A_449 = arith.index_cast %swap3A_448 : i32 to index
        %swap3A_450 = arith.index_cast %scan3A_419 : i32 to index
        %swap3A_451 = arith.constant 32 : index
        %swap3A_452 = tpu.vector_load %arg7[%swap3A_449, %swap3A_450, %swap3A_451] {strides = array<i32>} : memref<4x128x64xf32, #tpu.memory_space<vmem>>, vector<1x1x16xf32>,
        %swap3A_453 = vector.shape_cast %swap3A_452 : vector<1x1x16xf32> to vector<16xf32>
        %swap3A_454 = vector.shape_cast %get3A_447 : vector<16xf32> to vector<1x1x16xf32>
        tpu.vector_store %arg7[%swap3A_449, %swap3A_450, %swap3A_451], %swap3A_454 {add = true, strides = array<i32>} : memref<4x128x64xf32, #tpu.memory_space<vmem>>, vector<1x1x16xf32>,
        %add3A_455 = arith.addi %rem3A_386, %scan3A_419 : i32
        %get3A_456 = arith.index_cast %add3A_455 : i32 to index
        %get3A_457 = arith.constant 48 : index
        %get3A_458 = tpu.vector_load %arg8[%get3A_456, %get3A_457] {strides = array<i32>} : memref<400x64xf32, #tpu.memory_space<vmem>>, vector<1x16xf32>,
        %get3A_459 = vector.shape_cast %get3A_458 : vector<1x16xf32> to vector<16xf32>
        %swap3A_460 = arith.constant 3 : i32
        %swap3A_461 = arith.index_cast %swap3A_460 : i32 to index
        %swap3A_462 = arith.index_cast %scan3A_419 : i32 to index
        %swap3A_463 = arith.constant 48 : index
        %swap3A_464 = tpu.vector_load %arg7[%swap3A_461, %swap3A_462, %swap3A_463] {strides = array<i32>} : memref<4x128x64xf32, #tpu.memory_space<vmem>>, vector<1x1x16xf32>,
        %swap3A_465 = vector.shape_cast %swap3A_464 : vector<1x1x16xf32> to vector<16xf32>
        %swap3A_466 = vector.shape_cast %get3A_459 : vector<16xf32> to vector<1x1x16xf32>
        tpu.vector_store %arg7[%swap3A_461, %swap3A_462, %swap3A_463], %swap3A_466 {add = true, strides = array<i32>} : memref<4x128x64xf32, #tpu.memory_space<vmem>>, vector<1x1x16xf32>,
        %scan3A_467 = arith.constant 0 : i32
        scf.yield %scan3A_467 : i32
      }
      %scan3A_393 = arith.constant 128 : i32
      %mul3A_394 = arith.constant 128 : i32
      %mul3A_395 = arith.muli %add3A_367, %mul3A_394 : i32
      %add3A_396 = arith.addi %mul3A_2, %mul3A_395 : i32
      %dma_start3A_397 = arith.constant 3 : i32
      %dma_start3A_398 = arith.constant 3 : i32
      %dma_start3A_399 = arith.constant 0 : i32
      %dma_start3A_400 = arith.constant 0 : i32
      %dma_start3A_401 = tpu.memref_slice %arg7[%dma_start3A_397, %dma_start3A_399, %dma_start3A_400] : memref<4x128x64xf32, #tpu.memory_space<vmem>> -> memref<1x128x64xf32, #tpu.memory_space<vmem>>
      %dma_start3A_402 = tpu.memref_squeeze %dma_start3A_401 : memref<1x128x64xf32, #tpu.memory_space<vmem>> -> memref<128x64xf32, #tpu.memory_space<vmem>>
      %dma_start3A_403 = arith.constant 0 : i32
      %dma_start3A_404 = tpu.memref_slice %arg5[%add3A_396, %dma_start3A_403] : memref<819200x64xf32, #tpu.memory_space<hbm>> -> memref<128x64xf32, #tpu.memory_space<hbm>>
      %dma_start3A_405 = tpu.memref_slice %arg11[%dma_start3A_398] : memref<4x!tpu.dma_semaphore, #tpu.memory_space<semaphore_mem>> -> memref<1x!tpu.dma_semaphore, #tpu.memory_space<semaphore_mem>>
      %dma_start3A_406 = tpu.memref_squeeze %dma_start3A_405 : memref<1x!tpu.dma_semaphore, #tpu.memory_space<semaphore_mem>> -> memref<!tpu.dma_semaphore, #tpu.memory_space<semaphore_mem>>
      %dma_start3A_407 = arith.constant 0 : i32
      %dma_start3A_408 = tpu.memref_slice %arg5[%add3A_396, %dma_start3A_407] : memref<819200x64xf32, #tpu.memory_space<hbm>> -> memref<128x64xf32, #tpu.memory_space<hbm>>
      %dma_start3A_409 = arith.constant 0 : i32
      %dma_start3A_410 = arith.constant 0 : i32
      %dma_start3A_411 = tpu.memref_slice %arg7[%dma_start3A_397, %dma_start3A_409, %dma_start3A_410] : memref<4x128x64xf32, #tpu.memory_space<vmem>> -> memref<1x128x64xf32, #tpu.memory_space<vmem>>
      %dma_start3A_412 = tpu.memref_squeeze %dma_start3A_411 : memref<1x128x64xf32, #tpu.memory_space<vmem>> -> memref<128x64xf32, #tpu.memory_space<vmem>>
      tpu.enqueue_dma source(%dma_start3A_412 : memref<128x64xf32, #tpu.memory_space<vmem>>) target(%dma_start3A_408 : memref<128x64xf32, #tpu.memory_space<hbm>>) target_semaphore(%dma_start3A_406 : memref<!tpu.dma_semaphore, #tpu.memory_space<semaphore_mem>>)
      %lt3A_413 = arith.constant 49 : i32
      %lt3A_414 = arith.cmpi slt, %scan3A_64, %lt3A_413 : i32
      %convert_element_type3A_415 = arith.extui %lt3A_414 : i1 to i32
      %cond3A_416 = arith.constant 0 : i32
      %cond3A_417 = arith.cmpi ne, %convert_element_type3A_415, %cond3A_416 : i32
      scf.if %cond3A_417 {
        %add3A_419 = arith.constant 4 : i32
        %add3A_420 = arith.addi %add3A_367, %add3A_419 : i32
        %mul3A_421 = arith.constant 128 : i32
        %mul3A_422 = arith.muli %add3A_420, %mul3A_421 : i32
        %add3A_423 = arith.addi %mul3A_2, %mul3A_422 : i32
        %dma_start3A_424 = arith.constant 3 : i32
        %dma_start3A_425 = arith.constant 3 : i32
        %dma_start3A_426 = arith.constant 0 : i32
        %dma_start3A_427 = tpu.memref_slice %arg6[%dma_start3A_424, %dma_start3A_426] : memref<4x128xi32, #tpu.memory_space<vmem>> -> memref<1x128xi32, #tpu.memory_space<vmem>>
        %dma_start3A_428 = tpu.memref_squeeze %dma_start3A_427 : memref<1x128xi32, #tpu.memory_space<vmem>> -> memref<128xi32, #tpu.memory_space<vmem>>
        %dma_start3A_429 = tpu.memref_slice %arg2[%add3A_423] : memref<819200xi32, #tpu.memory_space<hbm>> -> memref<128xi32, #tpu.memory_space<hbm>>
        %dma_start3A_430 = tpu.memref_slice %arg9[%dma_start3A_425] : memref<4x!tpu.dma_semaphore, #tpu.memory_space<semaphore_mem>> -> memref<1x!tpu.dma_semaphore, #tpu.memory_space<semaphore_mem>>
        %dma_start3A_431 = tpu.memref_squeeze %dma_start3A_430 : memref<1x!tpu.dma_semaphore, #tpu.memory_space<semaphore_mem>> -> memref<!tpu.dma_semaphore, #tpu.memory_space<semaphore_mem>>
        %dma_start3A_432 = arith.constant 0 : i32
        %dma_start3A_433 = tpu.memref_slice %arg6[%dma_start3A_424, %dma_start3A_432] : memref<4x128xi32, #tpu.memory_space<vmem>> -> memref<1x128xi32, #tpu.memory_space<vmem>>
        %dma_start3A_434 = tpu.memref_squeeze %dma_start3A_433 : memref<1x128xi32, #tpu.memory_space<vmem>> -> memref<128xi32, #tpu.memory_space<vmem>>
        %dma_start3A_435 = tpu.memref_slice %arg2[%add3A_423] : memref<819200xi32, #tpu.memory_space<hbm>> -> memref<128xi32, #tpu.memory_space<hbm>>
        tpu.enqueue_dma source(%dma_start3A_435 : memref<128xi32, #tpu.memory_space<hbm>>) target(%dma_start3A_434 : memref<128xi32, #tpu.memory_space<vmem>>) target_semaphore(%dma_start3A_431 : memref<!tpu.dma_semaphore, #tpu.memory_space<semaphore_mem>>)
      } else {
      }
      %scan3A_418 = arith.constant 0 : i32
      scf.yield %scan3A_418 : i32
    }
    %scan3A_63 = arith.constant 50 : i32
    return
  }
}

</mosaic_0001>

<sc_bundles>
// kernel: _sc_embed.3.cloned.1.call-start
scs
__scs_entry_jumppad:
0x0: {  	(pc) =	sbr.rel $0x88, $3  }
0x1: {  	(tag) =	ssettag $0x0;
	lr =	simm.s32 $0x1  }
0x2: {  	[smem:$0x3F9E] =	sst lr;
	_ =	strace $0xD0000000  }
0x3: {  	_ = 	snop  }
0x4: {  	_ = 	snop  }
0x5: {  	_ = 	snop  }
0x6: {  	_ = 	snop  }
0x7: {  	_ = 	snop  }
__scs_overlays_trampoline_lowered:
0x8: {  	[smem:$0x3FAD] =	sst s0  }
0x9: {  	[smem:$0x3FAE] =	sst s1  }
0xa: {  	[smem:$0x3FAF] =	sst s2  }
0xb: {  	[smem:$0x3FB0] =	sst s3  }
0xc: {  	[smem:$0x3FB1] =	sst s4  }
0xd: {  	[smem:$0x3FB2] =	sst s5  }
0xe: {  	[smem:$0x3FB3] =	sst s6  }
0xf: {  	[smem:$0x3FB4] =	sst s7  }
0x10: {  	[smem:$0x3FB5] =	sst s8  }
0x11: {  	[smem:$0x3FB6] =	sst s9;
	s0 =	simm.s32 @!p0 $0x0  }
0x12: {  	s1 =	sld [smem:$0x3F9C];
	s0 =	simm.s32 @p0 $0x1  }
0x13: {  	[smem:$0x3FB7] =	sst s0;
	s0 =	simm.s32 @!p1 $0x0  }
0x14: {  	s2 =	sld [smem:$0x3F9B];
	s0 =	simm.s32 @p1 $0x1  }
0x15: {  	[smem:$0x3FB8] =	sst s0;
	s0 =	simm.s32 @!p2 $0x0  }
0x16: {  	s3 =	sld [smem:$0x3FDB];
	s0 =	simm.s32 @p2 $0x1  }
0x17: {  	s4 =	simm.s32 $0x1BF5;
	[smem:$0x3FBA] =	sst s0  }
0x18: {  	s0 =	sld [smem:$0x3F9D];
	_ =	swait.ge [sflag:s4], $0x0  }
0x19: {  	s7 =	sld [smem:$0x3F9E]  }
0x1a: {  	s8 =	sadd.s32 $0xFFFFE003, lr  }
0x1b: {  	s9 =	sadd.s32 $0xFFFFFEF7, lr;
	s5 =	simm.s32 $0xFFFFFFFF;
	p2 =	slt.u32 s8, $0xFFFFF086  }
0x1c: {  	p1 =	slt.u32 s9, $0xF7A;
	s5 =	simm.s32 @!p2 $0x0  }
0x1d: {  	s5 =	simm.s32 @p1 $0x1;
	p0 =	seq.s32 s7, s2  }
0x1e: {  	s7 =	smul.u32 @!p0 $0xF7A, s2;
	p2 =	seq.s32 @!p0 s5, $0x0  }
0x1f: {  	s9 =	smul.u32 $0xF7A, s1;
	s8 =	simm.s32 @!p0 $0x1BF5;
	p2 =	por !p2, p0  }
0x20: {  	[sflag:s8] =	ssyncset.s32 @!p0 $0xFFFFF086;
	s6 =	sadd.s32 @!p0 s3, s7;
	s7 =	simm.s32 @!p0 $0x108  }
0x21: {  	s3 =	sadd.s32 s3, s9;
	s6 =	sadd.s32 @!p0 $0x88, s6;
	s7 =	simm.s32 @p2 $0x1082  }
0x22: {  	[simem:s7], [sflag:s8] =	dma.local @!p0 [hbm:s6], $0xF7A  }
0x23: {  	s9 =	sor.u32 $0xD0000000, s2;
	s6 =	simm.s32 $0x108;
	_ =	swait.ge @!p0 [sflag:s8], $0x0  }
0x24: {  	s3 =	sadd.s32 $0x88, s3;
	s6 =	simm.s32 @!p1 $0x1082;
	[sflag:s4] =	ssyncset.s32 $0xFFFFF086  }
0x25: {  	[simem:s6], [sflag:s4] =	dma.local [hbm:s3], $0xF7A  }
0x26: {  	[smem:$0x3F9E] =	sst s1;
	(tag) =	ssettag s2;
	_ =	strace s9  }
0x27: {  	s1 =	sld [smem:$0x3FAE]  }
0x28: {  	s2 =	sld [smem:$0x3FAF]  }
0x29: {  	s4 =	sld [smem:$0x3FB1]  }
0x2a: {  	p0 =	seq.s32 s5, $0x0;
	s5 =	sld [smem:$0x3FB2]  }
0x2b: {  	s6 =	sld [smem:$0x3FB3]  }
0x2c: {  	s7 =	sld [smem:$0x3FB4]  }
0x2d: {  	s3 =	simm.s32 $0x108;
	s8 =	sld [smem:$0x3FB5]  }
0x2e: {  	s3 =	simm.s32 @!p0 $0x1082;
	s9 =	sld [smem:$0x3FB6]  }
0x2f: {  	lr =	sadd.s32 s0, s3;
	s0 =	sld [smem:$0x3FAD]  }
0x30: {  	s3 =	sld [smem:$0x3FB0]  }
0x31: {  	[smem:$0x3FB9] =	sst s10  }
0x32: {  	s10 =	sld [smem:$0x3FB7];
	_ =	sdelay $0x3  }
0x33: {  	p0 =	seq.s32 s10, $0x1;
	s10 =	sld [smem:$0x3FB9];
	_ =	sdelay $0x3  }
0x34: {  	[smem:$0x3FB9] =	sst s10  }
0x35: {  	s10 =	sld [smem:$0x3FB8];
	_ =	sdelay $0x3  }
0x36: {  	p1 =	seq.s32 s10, $0x1;
	s10 =	sld [smem:$0x3FB9];
	_ =	sdelay $0x3  }
0x37: {  	[smem:$0x3FB9] =	sst s10  }
0x38: {  	s10 =	sld [smem:$0x3FBA]  }
0x39: {  	_ = 	snop;
	(pc) =	sbr.ind lr, $3  }
0x3a: {  	_ = 	snop  }
0x3b: {  	_ = 	snop  }
0x3c: {  	p2 =	seq.s32 s10, $0x1;
	s10 =	sld [smem:$0x3FB9]  }
0x3d: {  	_ =	shalt  }
0x3e: {  	_ =	shalt  }
0x3f: {  	_ =	shalt  }
0x40: {  	_ =	shalt  }
0x41: {  	_ =	shalt  }
0x42: {  	_ =	shalt  }
0x43: {  	_ =	shalt  }
0x44: {  	_ =	shalt  }
0x45: {  	_ =	shalt  }
0x46: {  	_ =	shalt  }
0x47: {  	_ =	shalt  }
0x48: {  	_ =	shalt  }
0x49: {  	_ =	shalt  }
0x4a: {  	_ =	shalt  }
0x4b: {  	_ =	shalt  }
0x4c: {  	_ =	shalt  }
0x4d: {  	_ =	shalt  }
0x4e: {  	_ =	shalt  }
0x4f: {  	_ =	shalt  }
0x50: {  	_ =	shalt  }
0x51: {  	_ =	shalt  }
0x52: {  	_ =	shalt  }
0x53: {  	_ =	shalt  }
0x54: {  	_ =	shalt  }
0x55: {  	_ =	shalt  }
0x56: {  	_ =	shalt  }
0x57: {  	_ =	shalt  }
0x58: {  	_ =	shalt  }
0x59: {  	_ =	shalt  }
0x5a: {  	_ =	shalt  }
0x5b: {  	_ =	shalt  }
0x5c: {  	_ =	shalt  }
0x5d: {  	_ =	shalt  }
0x5e: {  	_ =	shalt  }
0x5f: {  	_ =	shalt  }
0x60: {  	_ =	shalt  }
0x61: {  	_ =	shalt  }
0x62: {  	_ =	shalt  }
0x63: {  	_ =	shalt  }
0x64: {  	_ =	shalt  }
0x65: {  	_ =	shalt  }
0x66: {  	_ =	shalt  }
0x67: {  	_ =	shalt  }
0x68: {  	_ =	shalt  }
0x69: {  	_ =	shalt  }
0x6a: {  	_ =	shalt  }
0x6b: {  	_ =	shalt  }
0x6c: {  	_ =	shalt  }
0x6d: {  	_ =	shalt  }
0x6e: {  	_ =	shalt  }
0x6f: {  	_ =	shalt  }
0x70: {  	_ =	shalt  }
0x71: {  	_ =	shalt  }
0x72: {  	_ =	shalt  }
0x73: {  	_ =	shalt  }
0x74: {  	_ =	shalt  }
0x75: {  	_ =	shalt  }
0x76: {  	_ =	shalt  }
0x77: {  	_ =	shalt  }
0x78: {  	_ =	shalt  }
0x79: {  	_ =	shalt  }
0x7a: {  	_ =	shalt  }
0x7b: {  	_ =	shalt  }
0x7c: {  	_ =	shalt  }
0x7d: {  	_ =	shalt  }
0x7e: {  	_ =	shalt  }
0x7f: {  	_ =	shalt  }
0x80: {  	_ =	shalt  }
0x81: {  	_ =	shalt  }
0x82: {  	_ =	shalt  }
0x83: {  	_ =	shalt  }
0x84: {  	_ =	shalt  }
0x85: {  	_ =	shalt  }
0x86: {  	_ =	shalt  }
0x87: {  	_ =	shalt  }
.Lfunc_end0:
.L_simem_size_0:
called_computation.1_lowered:
.L_overlay_start_0:
0x88: {  	s2 =	sld [smem:$0x3FD9]  }
0x89: {  	s3 =	sld [smem:$0x3FFE];
	_ =	sdelay $0x1  }
0x8a: {  	s1 =	srdreg.scid  }
0x8b: {  	s0 =	sand.u32 $0x1, s1  }
0x8c: {  	s17 =	sshll.u32 s0, $0xA;
	s2 =	sadd.s32 s3, s2  }
0x8d: {  	s2 =	sadd.s32 s2, s17  }
0x8e: {  	[smem:$0x3FC5] =	sst s2  }
0x8f: {  	_ = 	snop  }
0x90: {  	s2 =	sld [smem:$0x3FC9]  }
0x91: {  	s18 =	sld [smem:$0x3FD0];
	(tm) =	ssettm $0x1  }
0x92: {  	s4 =	sld [smem:$0x3FFB];
	_ =	sdelay $0x3  }
0x93: {  	_ =	strace s4  }
0x94: {  	s4 =	sld [smem:$0x3FFC];
	_ =	sdelay $0x3  }
0x95: {  	_ =	strace s4  }
0x96: {  	s4 =	sld [smem:$0x3FFD];
	_ =	sdelay $0x3  }
0x97: {  	_ =	strace s4  }
0x98: {  	_ =	strace $0x8FFFFFFF  }
0x99: {  	s19 =	sld [smem:$0x3FDB];
	_ =	sdelay $0x1  }
0x9a: {  	s5 =	simm.s32 $_scs_section_size  }
0x9b: {  	s6 =	simm.s32 $_size__tile_overlayer_lowered;
	s7 =	simm.s32 $_tile_overlayer_lowered  }
0x9c: {  	s22 =	simm.s32 $0x1BFF;
	s21 =	sshll.u32 s7, $0x1;
	s4 =	sadd.s32 s5, s19  }
0x9d: {  	s8 =	simm.s32 $0x0;
	s20 =	sshll.u32 s6, $0x1;
	s6 =	sadd.s32 s21, s4  }
0x9e: {  	[timem:s8], [sflag:s22] =	dma.local [hbm:s6], s20  }
0x9f: {  	_ =	swait.ge [sflag:s22], s20  }
0xa0: {  	s5 =	ssub.s32 $0x0, s20;
	[sflag:s22] =	ssyncset.done $0x0  }
0xa1: {  	[sflag:s22] =	ssyncadd.s32 s5;
	_ =	sdelay $0x1  }
0xa2: {  	s23 =	simm.s32 $0x1B8B  }
0xa3: {  	_ =	swait.ge [sflag:s23], $0x1  }
0xa4: {  	[sflag:s23] =	ssyncset.done $0x0  }
0xa5: {  	s25 =	simm.s32 $0x1B8E;
	s24 =	sld [smem:$0x3FFE];
	[sflag:s23] =	ssyncadd.s32 $0xFFFFFFFF  }
0xa6: {  	s26 =	simm.s32 $execute0_lowered;
	[smem:$0x3FD2] =	sst s25  }
0xa7: {  	s6 =	sshll.u32 s26, $0x1;
	_ =	strace $0x80000046;
	[dreg:$0x1] =	wrdreg $0xFFFFFFFF  }
0xa8: {  	s28 =	simm.s32 $_size_execute0_lowered;
	s4 =	sadd.s32 s4, s6;
	[dreg:$0x0] =	wrdreg $0x0  }
0xa9: {  	s6 =	sshll.u32 s28, $0x1;
	[dreg:$0x2] =	wrdreg s4  }
0xaa: {  	[dreg:$0x3] =	wrdreg s6  }
0xab: {  	[dreg:$0x4] =	wrdreg $0xC0  }
0xac: {  	_ =	task [dreg:s8], $0x5FFFF  }
0xad: {  	[dreg:$0x1] =	wrdreg $0xFFFFFFFF  }
0xae: {  	[dreg:$0x0] =	wrdreg $0x60  }
0xaf: {  	[dreg:$0x2] =	wrdreg s2  }
0xb0: {  	[dreg:$0x3] =	wrdreg s24  }
0xb1: {  	[dreg:$0x4] =	wrdreg s18  }
0xb2: {  	[dreg:$0x5] =	wrdreg $0x9  }
0xb3: {  	_ =	task.clear_ibuf [dreg:s8], $0x6FFFF;
	_ =	strace $0x90000046  }
0xb4: {  	s29 =	simm.s32 $0x9;
	_ =	strace $0x80000048  }
0xb5: {  	_ =	swait.ge [sflag:s29], $0x1  }
0xb6: {  	[sflag:s29] =	ssyncadd.s32 $0xFFFFFFFF  }
0xb7: {  	_ =	strace $0x90000048  }
0xb8: {  	_ =	sfence  }
0xb9: {  	s30 =	sld [smem:$0x0];
	_ =	sdelay $0x2  }
0xba: {  	s31 =	sshll.u32 s1, $0xD;
	s1 =	sshrl.u32 s1, $0x2  }
0xbb: {  	s3 =	sand.u32 $0x4000, s31;
	s1 =	sadd.s32 s1, s30  }
0xbc: {  	s0 =	sor.u32 s3, s0;
	s1 =	sshll.u32 s1, $0x11  }
0xbd: {  	s0 =	sor.u32 s1, s0  }
0xbe: {  	s0 =	sadd.s32 $0x8F2B, s0  }
0xbf: {  	[sflag:s0] =	ssyncadd.remote.s32 $0x1  }
0xc0: {  	_ =	sfence.sel $0xFFFF  }
0xc1: {  	[dreg:$0x0] =	wrdreg $0xFFFFFFFF;
	(pc) =	sbr.abs _section_cstart, $3  }
0xc2: {  	[dreg:$0x1] =	wrdreg $0xFFFFFFFF  }
0xc3: {  	_ =	task.clear_ibuf [dreg:s8], $0x2FFFF;
	_ =	strace $0x9FFFFFFF  }
0xc4: {  	(tm) =	ssettm $0x7FFFFFFF  }
0xc5: {  	_ =	shalt  }
tec
execute0_lowered:
.L_overlay_start_1:
0x0: {  	(tag) =	ssettag $0x1  }
0x1: {  	s1 =	rddreg [dreg:$0x0]  }
0x2: {  	s0 =	rddreg [dreg:$0x1];
	s2 =	srdreg.scid  }
0x3: {  	s4 =	stileid.u32;
	s3 =	rddreg [dreg:$0x2]  }
0x4: {  	s29 =	simm.s32 $0x200;
	s28 =	simm.s32 $0x4;
	s30 =	simm.s32 $0x6200  }
0x5: {  	s31 =	simm.s32 $0x5;
	s2 =	sand.u32 $0x1, s2;
	s5 =	sshll.u32 s4, $0x1  }
0x6: {  	s18 =	simm.s32 $0x8;
	s8 =	simm.s32 $0x0;
	s5 =	sor.u32 s2, s5  }
0x7: {  	s4 =	simm.s32 $0x0;
	s6 =	sadd.s32 $0xF42E00, s0;
	s5 =	smul.u32 $0x6400, s5  }
0x8: {  	s0 =	sadd.s32 $0xA00, s0;
	[smem:$0x7FF] =	sst s4;
	s2 =	ssub.s32 $0x2, s2  }
0x9: {  	_ =	strace $0x80000047;
	[dreg:$0x4] =	wrdreg s0;
	s23 =	sor.u32 $0x200, s5  }
0xa: {  	s19 =	sshrl.u32 s2, $0x1;
	s24 =	sor.u32 $0x280, s5;
	[dreg:$0x9] =	wrdreg s23  }
0xb: {  	s0 =	ssub.s32 s2, s19;
	s25 =	sor.u32 $0x300, s5;
	[dreg:$0xa] =	wrdreg s24  }
0xc: {  	s19 =	simm.s32 $0x1;
	s26 =	sor.u32 $0x380, s5;
	[dreg:$0xb] =	wrdreg s25  }
0xd: {  	s7 =	sshrl.u32 s5, $0x3;
	s0 =	smax.u32 s0, $0x1;
	[dreg:$0xc] =	wrdreg s26  }
0xe: {  	s2 =	simm.s32 $0x6;
	s7 =	sadd.s32 s1, s7;
	[dreg:$0xd] =	wrdreg s0  }
.Ltmp0:
0xf: {  	s20 =	sadd.s32 $0x10, s7;
	[dreg:$0x5] =	wrdreg s7;
	(pc) =	sbr.rel .LBB2_1-.Ltmp0, $4  }
0x10: {  	s26 =	simm.s32 $0x2200;
	s21 =	sadd.s32 $0x20, s7;
	[dreg:$0x6] =	wrdreg s20  }
0x11: {  	s24 =	simm.s32 $0x3;
	s22 =	sadd.s32 $0x30, s7;
	[dreg:$0x7] =	wrdreg s21  }
0x12: {  	s23 =	simm.s32 $0x180;
	s0 =	simm.s32 $0x7;
	[dreg:$0x8] =	wrdreg s22  }
0x13: {  	s20 =	simm.s32 $0x80;
	s22 =	simm.s32 $0x2;
	s21 =	simm.s32 $0x4200  }
.LBB2_12:
0x14: {  	s8 =	rddreg [dreg:$0xe]  }
0x15: {  	s7 =	rddreg [dreg:$0xd];
	s8 =	sadd.s32 $0x1, s8  }
0x16: {  	p0 =	sne.s32 s8, s7  }
.Ltmp1:
0x17: {  	_ = 	snop;
	(pc) =	sbr.rel @!p0 .LBB2_13-.Ltmp1, $1  }
0x18: {  	_ =	sdelay $0x3  }
.LBB2_1:
0x19: {  	[dreg:$0xe] =	wrdreg s8  }
0x1a: {  	s10 =	simm.s32 $0x8200;
	s7 =	rddreg [dreg:$0x4];
	s13 =	simm.s32 $0xD  }
0x1b: {  	[tilespmem:s10], [sflag:$0xD] =	stream.linear.gather [hbm4b:s7+s4], $0x3200, $0x38;
	[tilespmem:$0xE600] =	vst v63  }
0x1c: {  	_ =	swait.ge [sflag:s13], $0x3200  }
0x1d: {  	[sflag:s13] =	ssyncset.done $0x0  }
0x1e: {  	s9 =	simm.s32 $0xB400;
	[sflag:s13] =	ssyncadd.s32 $0xFFFFCE00  }
0x1f: {  	[tilespmem:s9], [sflag:$0xD] =	stream.linear.gather [hbm4b:s7+s4], $0x3200, $0x38;
	[tilespmem:$0xE600] =	vst v63  }
0x20: {  	_ =	swait.ge [sflag:s13], $0x3200  }
0x21: {  	[sflag:s13] =	ssyncset.done $0x0  }
0x22: {  	s14 =	rddreg [dreg:$0x5];
	[sflag:s13] =	ssyncadd.s32 $0xFFFFCE00  }
0x23: {  	[tilespmem:s4], [sflag:$0x1] =	stream.linear.gather [hbm4b:s14+s4], $0x80, $0x38;
	[tilespmem:$0xE600] =	vst v63  }
0x24: {  	s17 =	simm.s32 $0x100;
	s11 =	simm.s32 $0x180;
	s15 =	rddreg [dreg:$0x6]  }
0x25: {  	[tilespmem:s20], [sflag:$0x2] =	stream.linear.gather [hbm4b:s15+s4], $0x80, $0x38;
	[tilespmem:$0xE600] =	vst v63  }
0x26: {  	s8 =	simm.s32 $0x80;
	s7 =	simm.s32 $0x0;
	s16 =	rddreg [dreg:$0x7]  }
0x27: {  	[tilespmem:s17], [sflag:$0x3] =	stream.linear.gather [hbm4b:s16+s4], $0x80, $0x38;
	[tilespmem:$0xE600] =	vst v63  }
0x28: {  	s25 =	rddreg [dreg:$0x8];
	s16 =	simm.s32 $0x100;
	s17 =	simm.s32 $0x0  }
0x29: {  	[tilespmem:s23], [sflag:$0x4] =	stream.linear.gather [hbm4b:s25+s4], $0x80, $0x38;
	[tilespmem:$0xE600] =	vst v63  }
.LBB2_2:
0x2a: {  	p0 =	seq.s32 s17, $0x0  }
0x2b: {  	s9 =	simm.s32 @!p0 $0x9  }
0x2c: {  	_ =	swait.ge @!p0 [sflag:s9], $0x2000  }
0x2d: {  	[sflag:s9] =	ssyncset.done @!p0 $0x0  }
0x2e: {  	[sflag:s9] =	ssyncadd.s32 @!p0 $0xFFFFE000  }
0x2f: {  	_ =	swait.ge [sflag:s19], $0x80  }
0x30: {  	[sflag:s19] =	ssyncset.done $0x0  }
0x31: {  	s9 =	simm.s32 @!p0 $0xA;
	[sflag:s19] =	ssyncadd.s32 $0xFFFFFF80  }
0x32: {  	[tilespmem:s29], [sflag:$0x5] =	stream.indirect.gather [hbm4b:s6+s20], $0x40, s4, s20, $0xb8;
	[tilespmem:$0xE600] =	vst v63  }
0x33: {  	_ =	swait.ge @!p0 [sflag:s9], $0x2000  }
0x34: {  	[sflag:s9] =	ssyncset.done @!p0 $0x0  }
0x35: {  	[sflag:s9] =	ssyncadd.s32 @!p0 $0xFFFFE000  }
0x36: {  	_ =	swait.ge [sflag:s22], $0x80  }
0x37: {  	[sflag:s22] =	ssyncset.done $0x0  }
0x38: {  	s12 =	simm.s32 @!p0 $0xB;
	[sflag:s22] =	ssyncadd.s32 $0xFFFFFF80  }
0x39: {  	[tilespmem:s26], [sflag:$0x6] =	stream.indirect.gather [hbm4b:s6+s20], $0x40, s20, s20, $0xb8;
	[tilespmem:$0xE600] =	vst v63  }
0x3a: {  	s13 =	smulhi.u32 $0x51EB851F, s11;
	_ =	swait.ge @!p0 [sflag:s12], $0x2000  }
0x3b: {  	[sflag:s12] =	ssyncset.done @!p0 $0x0  }
0x3c: {  	s14 =	smulhi.u32 $0x51EB851F, s16;
	s9 =	sshrl.u32 s13, $0x6;
	[sflag:s12] =	ssyncadd.s32 @!p0 $0xFFFFE000  }
0x3d: {  	s9 =	smul.u32 $0xFFFF3800, s9;
	_ =	swait.ge [sflag:s24], $0x80  }
0x3e: {  	s15 =	smulhi.u32 $0x51EB851F, s8;
	[sflag:s24] =	ssyncset.done $0x0  }
0x3f: {  	s13 =	simm.s32 $0x100;
	s9 =	sshra.s32 s9, $0x2;
	[sflag:s24] =	ssyncadd.s32 $0xFFFFFF80  }
0x40: {  	[tilespmem:s21], [sflag:$0x7] =	stream.indirect.gather [hbm4b:s6+s20], $0x40, s13, s20, $0xb8;
	[tilespmem:$0xE600] =	vst v63  }
0x41: {  	s25 =	sadd.s32 s9, s10;
	s21 =	smulhi.u32 $0x51EB851F, s7  }
0x42: {  	s9 =	sshrl.u32 s15, $0x6;
	s12 =	sshrl.u32 s14, $0x6;
	s14 =	simm.s32 @!p0 $0xC  }
0x43: {  	s9 =	smul.u32 $0xFFFF3800, s9;
	_ =	swait.ge @!p0 [sflag:s14], $0x2000;
	s13 =	sshrl.u32 s21, $0x6  }
0x44: {  	[sflag:s14] =	ssyncset.done @!p0 $0x0;
	s15 =	smul.u32 $0xFFFF3800, s13  }
0x45: {  	s29 =	simm.s32 $0x100;
	s12 =	smul.u32 $0xFFFF3800, s12;
	[sflag:s14] =	ssyncadd.s32 @!p0 $0xFFFFE000  }
0x46: {  	s9 =	sshra.s32 s9, $0x2;
	_ =	swait.ge [sflag:s28], $0x80;
	s26 =	sshra.s32 s15, $0x2  }
0x47: {  	s12 =	sshra.s32 s12, $0x2;
	[sflag:s28] =	ssyncset.done $0x0;
	s26 =	sadd.s32 s26, s10  }
0x48: {  	s21 =	sadd.s32 s9, s10;
	s9 =	sshll.u32 s17, $0x9;
	[sflag:s28] =	ssyncadd.s32 $0xFFFFFF80;
	v0 =	vmov s26  }
0x49: {  	[tilespmem:s30], [sflag:$0x8] =	stream.indirect.gather [hbm4b:s6+s20], $0x40, s23, s20, $0xb8;
	[tilespmem:$0xE600] =	vst v63  }
0x4a: {  	s13 =	sadd.s32 s12, s10;
	s12 =	sadd.s32 s9, s5;
	_ =	swait.ge [sflag:s31], $0x2000  }
0x4b: {  	s14 =	sadd.s32 $0x80, s12;
	s15 =	sadd.s32 $0x100, s12;
	[sflag:s31] =	ssyncset.done $0x0  }
0x4c: {  	s23 =	sadd.s32 s5, s9;
	s26 =	simm.s32 $0x0;
	[sflag:s31] =	ssyncadd.s32 $0xFFFFE000  }
.LBB2_3:
0x4d: {  	p0 =	sne.s32 s29, $0x7F00;
	v1 =	vld.idx.msk [tilespmem:v0+s26+$0x0 ss:$0x1], $0xffff;
	_ =	sdelay $0x5  }
0x4e: {  	[tilespmem:s26+$0x200] =	vst.add.f32.msk $0xffff, v1  }
0x4f: {  	v1 =	vld.idx.msk [tilespmem:v0+s26+$0x10 ss:$0x1], $0xffff;
	_ =	sdelay $0x5  }
0x50: {  	[tilespmem:s26+$0x210] =	vst.add.f32.msk $0xffff, v1  }
0x51: {  	v1 =	vld.idx.msk [tilespmem:v0+s26+$0x20 ss:$0x1], $0xffff;
	_ =	sdelay $0x5  }
0x52: {  	[tilespmem:s26+$0x220] =	vst.add.f32.msk $0xffff, v1  }
0x53: {  	v1 =	vld.idx.msk [tilespmem:v0+s26+$0x30 ss:$0x1], $0xffff;
	_ =	sdelay $0x1  }
.Ltmp2:
0x54: {  	(pc) =	sbr.rel @p0 .LBB2_3-.Ltmp2, $2  }
0x55: {  	_ =	sdelay $0x2  }
0x56: {  	[tilespmem:s26+$0x230] =	vst.add.f32.msk $0xffff, v1;
	s26 =	sshra.s32 s29, $0x2;
	s29 =	sadd.s32 $0x100, s29  }
0x57: {  	_ =	sdelay $0x3  }
0x58: {  	v1 =	vld.idx.msk [tilespmem:v0+s26+$0x0 ss:$0x1], $0xffff;
	_ =	sdelay $0x4  }
0x59: {  	[tilespmem:s26+$0x200] =	vst.add.f32.msk $0xffff, v1  }
0x5a: {  	v1 =	vld.idx.msk [tilespmem:v0+s26+$0x10 ss:$0x1], $0xffff;
	_ =	sdelay $0x4  }
0x5b: {  	[tilespmem:s26+$0x210] =	vst.add.f32.msk $0xffff, v1  }
0x5c: {  	v1 =	vld.idx.msk [tilespmem:v0+s26+$0x20 ss:$0x1], $0xffff;
	_ =	sdelay $0x4  }
0x5d: {  	[tilespmem:s26+$0x220] =	vst.add.f32.msk $0xffff, v1  }
0x5e: {  	v0 =	vld.idx.msk [tilespmem:v0+s26+$0x30 ss:$0x1], $0xffff;
	_ =	sdelay $0x3  }
0x5f: {  	s23 =	sshll.u32 s23, $0x3  }
0x60: {  	s29 =	simm.s32 $0x200;
	s23 =	sadd.s32 s3, s23;
	[tilespmem:s26+$0x230] =	vst.add.f32.msk $0xffff, v0  }
0x61: {  	[hbm4b:s23+s4] =	stream.linear.scatter [tilespmem:s29], [sflag:$0x9], $0x2000, $0x38;
	[tilespmem:$0xE600] =	vst v63  }
0x62: {  	p0 =	seq.s32 s17, $0x31;
	s23 =	rddreg [dreg:$0x9]  }
0x63: {  	s23 =	sadd.s32 @!p0 s9, s23  }
0x64: {  	s23 =	sshrl.u32 @!p0 s23, $0x3  }
0x65: {  	s26 =	simm.s32 @!p0 $0x0;
	v0 =	vmov s21;
	s23 =	sadd.s32 @!p0 s1, s23  }
0x66: {  	[tilespmem:s26], [sflag:$0x1] =	stream.linear.gather @!p0 [hbm4b:s23+s26], $0x80, $0x38;
	[tilespmem:$0xE600] =	vst v63  }
0x67: {  	_ =	swait.ge [sflag:s2], $0x2000  }
0x68: {  	s12 =	sadd.s32 $0x180, s12;
	[sflag:s2] =	ssyncset.done $0x0  }
0x69: {  	s21 =	simm.s32 $0x0;
	s23 =	simm.s32 $0x100;
	[sflag:s2] =	ssyncadd.s32 $0xFFFFE000  }
.LBB2_5:
0x6a: {  	p1 =	sne.s32 s23, $0x7F00;
	v1 =	vld.idx.msk [tilespmem:v0+s21+$0x2000 ss:$0x1], $0xffff;
	_ =	sdelay $0x5  }
0x6b: {  	[tilespmem:s21+$0x2200] =	vst.add.f32.msk $0xffff, v1  }
0x6c: {  	v1 =	vld.idx.msk [tilespmem:v0+s21+$0x2010 ss:$0x1], $0xffff;
	_ =	sdelay $0x5  }
0x6d: {  	[tilespmem:s21+$0x2210] =	vst.add.f32.msk $0xffff, v1  }
0x6e: {  	v1 =	vld.idx.msk [tilespmem:v0+s21+$0x2020 ss:$0x1], $0xffff;
	_ =	sdelay $0x5  }
0x6f: {  	[tilespmem:s21+$0x2220] =	vst.add.f32.msk $0xffff, v1  }
0x70: {  	v1 =	vld.idx.msk [tilespmem:v0+s21+$0x2030 ss:$0x1], $0xffff;
	_ =	sdelay $0x1  }
.Ltmp3:
0x71: {  	(pc) =	sbr.rel @p1 .LBB2_5-.Ltmp3, $2  }
0x72: {  	_ =	sdelay $0x2  }
0x73: {  	[tilespmem:s21+$0x2230] =	vst.add.f32.msk $0xffff, v1;
	s21 =	sshra.s32 s23, $0x2;
	s23 =	sadd.s32 $0x100, s23  }
0x74: {  	_ =	sdelay $0x3  }
0x75: {  	v1 =	vld.idx.msk [tilespmem:v0+s21+$0x2000 ss:$0x1], $0xffff;
	_ =	sdelay $0x4  }
0x76: {  	[tilespmem:s21+$0x2200] =	vst.add.f32.msk $0xffff, v1  }
0x77: {  	v1 =	vld.idx.msk [tilespmem:v0+s21+$0x2010 ss:$0x1], $0xffff;
	_ =	sdelay $0x4  }
0x78: {  	[tilespmem:s21+$0x2210] =	vst.add.f32.msk $0xffff, v1  }
0x79: {  	v1 =	vld.idx.msk [tilespmem:v0+s21+$0x2020 ss:$0x1], $0xffff;
	_ =	sdelay $0x4  }
0x7a: {  	[tilespmem:s21+$0x2220] =	vst.add.f32.msk $0xffff, v1  }
0x7b: {  	v0 =	vld.idx.msk [tilespmem:v0+s21+$0x2030 ss:$0x1], $0xffff;
	_ =	sdelay $0x2  }
0x7c: {  	s14 =	sshll.u32 s14, $0x3  }
0x7d: {  	s14 =	sand.u32 $0x1FFFF400, s14  }
0x7e: {  	s26 =	simm.s32 $0x2200;
	s14 =	sadd.s32 s3, s14;
	[tilespmem:s21+$0x2230] =	vst.add.f32.msk $0xffff, v0  }
0x7f: {  	[hbm4b:s14+s4] =	stream.linear.scatter [tilespmem:s26], [sflag:$0xA], $0x2000, $0x38;
	[tilespmem:$0xE600] =	vst v63  }
0x80: {  	s14 =	rddreg [dreg:$0xa]  }
0x81: {  	s14 =	sadd.s32 @!p0 s9, s14  }
0x82: {  	s14 =	sshrl.u32 @!p0 s14, $0x3  }
0x83: {  	s23 =	simm.s32 @!p0 $0x80;
	s21 =	simm.s32 @!p0 $0x0;
	v0 =	vmov s13;
	s14 =	sadd.s32 @!p0 s1, s14  }
0x84: {  	[tilespmem:s23], [sflag:$0x2] =	stream.linear.gather @!p0 [hbm4b:s14+s21], $0x80, $0x38;
	[tilespmem:$0xE600] =	vst v63  }
0x85: {  	_ =	swait.ge [sflag:s0], $0x2000  }
0x86: {  	[sflag:s0] =	ssyncset.done $0x0  }
0x87: {  	s13 =	simm.s32 $0x0;
	s14 =	simm.s32 $0x100;
	[sflag:s0] =	ssyncadd.s32 $0xFFFFE000  }
.LBB2_7:
0x88: {  	p1 =	sne.s32 s14, $0x7F00;
	v1 =	vld.idx.msk [tilespmem:v0+s13+$0x4000 ss:$0x1], $0xffff;
	_ =	sdelay $0x5  }
0x89: {  	[tilespmem:s13+$0x4200] =	vst.add.f32.msk $0xffff, v1  }
0x8a: {  	v1 =	vld.idx.msk [tilespmem:v0+s13+$0x4010 ss:$0x1], $0xffff;
	_ =	sdelay $0x5  }
0x8b: {  	[tilespmem:s13+$0x4210] =	vst.add.f32.msk $0xffff, v1  }
0x8c: {  	v1 =	vld.idx.msk [tilespmem:v0+s13+$0x4020 ss:$0x1], $0xffff;
	_ =	sdelay $0x5  }
0x8d: {  	[tilespmem:s13+$0x4220] =	vst.add.f32.msk $0xffff, v1  }
0x8e: {  	v1 =	vld.idx.msk [tilespmem:v0+s13+$0x4030 ss:$0x1], $0xffff;
	_ =	sdelay $0x1  }
.Ltmp4:
0x8f: {  	(pc) =	sbr.rel @p1 .LBB2_7-.Ltmp4, $2  }
0x90: {  	_ =	sdelay $0x2  }
0x91: {  	[tilespmem:s13+$0x4230] =	vst.add.f32.msk $0xffff, v1;
	s13 =	sshra.s32 s14, $0x2;
	s14 =	sadd.s32 $0x100, s14  }
0x92: {  	_ =	sdelay $0x3  }
0x93: {  	v1 =	vld.idx.msk [tilespmem:v0+s13+$0x4000 ss:$0x1], $0xffff;
	_ =	sdelay $0x4  }
0x94: {  	[tilespmem:s13+$0x4200] =	vst.add.f32.msk $0xffff, v1  }
0x95: {  	v1 =	vld.idx.msk [tilespmem:v0+s13+$0x4010 ss:$0x1], $0xffff;
	_ =	sdelay $0x4  }
0x96: {  	[tilespmem:s13+$0x4210] =	vst.add.f32.msk $0xffff, v1  }
0x97: {  	v1 =	vld.idx.msk [tilespmem:v0+s13+$0x4020 ss:$0x1], $0xffff;
	_ =	sdelay $0x4  }
0x98: {  	[tilespmem:s13+$0x4220] =	vst.add.f32.msk $0xffff, v1  }
0x99: {  	v0 =	vld.idx.msk [tilespmem:v0+s13+$0x4030 ss:$0x1], $0xffff;
	_ =	sdelay $0x2  }
0x9a: {  	s14 =	sshll.u32 s15, $0x3  }
0x9b: {  	s14 =	sand.u32 $0x1FFFF800, s14  }
0x9c: {  	s21 =	simm.s32 $0x4200;
	s23 =	sadd.s32 s3, s14;
	[tilespmem:s13+$0x4230] =	vst.add.f32.msk $0xffff, v0;
	s13 =	rddreg [dreg:$0xb]  }
0x9d: {  	[hbm4b:s23+s4] =	stream.linear.scatter [tilespmem:s21], [sflag:$0xB], $0x2000, $0x38;
	[tilespmem:$0xE600] =	vst v63  }
0x9e: {  	s13 =	sadd.s32 @!p0 s9, s13  }
0x9f: {  	s13 =	sshrl.u32 @!p0 s13, $0x3  }
0xa0: {  	s15 =	simm.s32 @!p0 $0x100;
	s14 =	simm.s32 @!p0 $0x0;
	v0 =	vmov s25;
	s13 =	sadd.s32 @!p0 s1, s13  }
0xa1: {  	[tilespmem:s15], [sflag:$0x3] =	stream.linear.gather @!p0 [hbm4b:s13+s14], $0x80, $0x38;
	[tilespmem:$0xE600] =	vst v63  }
0xa2: {  	_ =	swait.ge [sflag:s18], $0x2000  }
0xa3: {  	s23 =	simm.s32 $0x180;
	[sflag:s18] =	ssyncset.done $0x0  }
0xa4: {  	s13 =	simm.s32 $0x0;
	s14 =	simm.s32 $0x100;
	[sflag:s18] =	ssyncadd.s32 $0xFFFFE000  }
.LBB2_9:
0xa5: {  	p1 =	sne.s32 s14, $0x7F00;
	v1 =	vld.idx.msk [tilespmem:v0+s13+$0x6000 ss:$0x1], $0xffff;
	_ =	sdelay $0x5  }
0xa6: {  	[tilespmem:s13+$0x6200] =	vst.add.f32.msk $0xffff, v1  }
0xa7: {  	v1 =	vld.idx.msk [tilespmem:v0+s13+$0x6010 ss:$0x1], $0xffff;
	_ =	sdelay $0x5  }
0xa8: {  	[tilespmem:s13+$0x6210] =	vst.add.f32.msk $0xffff, v1  }
0xa9: {  	v1 =	vld.idx.msk [tilespmem:v0+s13+$0x6020 ss:$0x1], $0xffff;
	_ =	sdelay $0x5  }
0xaa: {  	[tilespmem:s13+$0x6220] =	vst.add.f32.msk $0xffff, v1  }
0xab: {  	v1 =	vld.idx.msk [tilespmem:v0+s13+$0x6030 ss:$0x1], $0xffff;
	_ =	sdelay $0x1  }
.Ltmp5:
0xac: {  	(pc) =	sbr.rel @p1 .LBB2_9-.Ltmp5, $2  }
0xad: {  	_ =	sdelay $0x2  }
0xae: {  	[tilespmem:s13+$0x6230] =	vst.add.f32.msk $0xffff, v1;
	s13 =	sshra.s32 s14, $0x2;
	s14 =	sadd.s32 $0x100, s14  }
0xaf: {  	_ =	sdelay $0x3  }
0xb0: {  	v1 =	vld.idx.msk [tilespmem:v0+s13+$0x6000 ss:$0x1], $0xffff;
	_ =	sdelay $0x4  }
0xb1: {  	[tilespmem:s13+$0x6200] =	vst.add.f32.msk $0xffff, v1  }
0xb2: {  	v1 =	vld.idx.msk [tilespmem:v0+s13+$0x6010 ss:$0x1], $0xffff;
	_ =	sdelay $0x4  }
0xb3: {  	[tilespmem:s13+$0x6210] =	vst.add.f32.msk $0xffff, v1  }
0xb4: {  	v1 =	vld.idx.msk [tilespmem:v0+s13+$0x6020 ss:$0x1], $0xffff;
	_ =	sdelay $0x4  }
0xb5: {  	[tilespmem:s13+$0x6220] =	vst.add.f32.msk $0xffff, v1  }
0xb6: {  	v63 =	vld.idx.msk [tilespmem:v0+s13+$0x6030 ss:$0x1], $0xffff;
	_ =	sdelay $0x1  }
.Ltmp6:
0xb7: {  	_ = 	snop;
	(pc) =	sbr.rel @p0 .LBB2_12-.Ltmp6, $4  }
0xb8: {  	s12 =	sshll.u32 s12, $0x3  }
0xb9: {  	s12 =	sand.u32 $0x1FFFFC00, s12  }
0xba: {  	s12 =	sadd.s32 s3, s12;
	[tilespmem:s13+$0x6230] =	vst.add.f32.msk $0xffff, v63  }
0xbb: {  	[hbm4b:s12+s4] =	stream.linear.scatter [tilespmem:s30], [sflag:$0xC], $0x2000, $0x38;
	[tilespmem:$0xE600] =	vst v63  }
.Ltmp7:
0xbc: {  	s12 =	rddreg [dreg:$0xc];
	(pc) =	sbr.rel .LBB2_2-.Ltmp7, $4  }
0xbd: {  	s17 =	sadd.s32 $0x1, s17;
	s10 =	sadd.s32 $0x8000, s10;
	s9 =	sadd.s32 s9, s12  }
0xbe: {  	s7 =	sadd.s32 $0x200, s7;
	s8 =	sadd.s32 $0x200, s8;
	s9 =	sshrl.u32 s9, $0x3  }
0xbf: {  	s16 =	sadd.s32 $0x200, s16;
	s11 =	sadd.s32 $0x200, s11;
	s9 =	sadd.s32 s1, s9  }
0xc0: {  	[tilespmem:s23], [sflag:$0x4] =	stream.linear.gather [hbm4b:s9+s4], $0x80, $0x38;
	[tilespmem:$0xE600] =	vst v63  }
.LBB2_13:
0xc1: {  	_ =	sfence.sel $0x180000  }
0xc2: {  	[bflag:$0x0] =	sbarrier.arrive $0xFFFF  }
0xc3: {  	_ =	strace $0x90000047  }
0xc4: {  	s0 =	stileid.u32;
	[bflag:$0x2] =	sbarrier.arrive $0xFFFF  }
0xc5: {  	p0 =	sne.s32 s0, $0x0;
	s0 =	rddreg [dreg:$0x3]  }
0xc6: {  	s0 =	sadd.s32 @!p0 $0x100000, s0  }
0xc7: {  	[sflag:s0] =	ssyncadd.tile.s32 @!p0 $0x1;
	_ =	shalt  }
.Lfunc_end2:
_tile_overlayer_lowered:
.L_overlay_start_2:
0xc8: {  	(tag) =	ssettag $0x2  }
0xc9: {  	s0 =	rddreg [dreg:$0x0];
	s2 =	stileid.u32  }
0xca: {  	s1 =	rddreg [dreg:$0x1];
	p0 =	sne.s32 s2, $0x0  }
0xcb: {  	s3 =	rddreg [dreg:$0x2];
	[bflag:$0x3] =	sbarrier.arrive $0xFFFF;
	s2 =	simm.s32 @!p0 $0x1C0D  }
0xcc: {  	[timem:s3], [sflag:s2] =	dma.local @!p0 [hbm:s0], s1  }
0xcd: {  	s0 =	simm.s32 @!p0 $0xD  }
0xce: {  	_ =	swait.ge @!p0 [sflag:s0], s1  }
0xcf: {  	s1 =	ssub.s32 @!p0 $0x0, s1;
	[sflag:s0] =	ssyncset.done @!p0 $0x0  }
0xd0: {  	[sflag:s0] =	ssyncadd.s32 @!p0 s1  }
0xd1: {  	[bflag:$0x3] =	sbarrier.arrive $0xFFFF  }
0xd2: {  	_ =	shalt  }

// kernel: sparse-core-data-format-call.cloned.1.call-start
scs
called_computation_lowered:
.L_overlay_start_0:
0x0: {  	s2 =	sld [smem:$0x3FD9]  }
0x1: {  	s3 =	sld [smem:$0x3FFE];
	_ =	sdelay $0x1  }
0x2: {  	s1 =	srdreg.scid  }
0x3: {  	s0 =	sand.u32 $0x1, s1  }
0x4: {  	s18 =	sshll.u32 s0, $0xA;
	s2 =	sadd.s32 s3, s2  }
0x5: {  	s2 =	sadd.s32 s2, s18  }
0x6: {  	[smem:$0x3FC5] =	sst s2  }
0x7: {  	_ = 	snop  }
0x8: {  	s2 =	sld [smem:$0x3FD0];
	(tm) =	ssettm $0x1  }
0x9: {  	s19 =	sld [smem:$0x3FFB];
	_ =	sdelay $0x3  }
0xa: {  	_ =	strace s19  }
0xb: {  	s3 =	sld [smem:$0x3FFC];
	_ =	sdelay $0x3  }
0xc: {  	_ =	strace s3  }
0xd: {  	s3 =	sld [smem:$0x3FFD];
	_ =	sdelay $0x3  }
0xe: {  	_ =	strace s3  }
0xf: {  	_ =	strace $0x8FFFFFFF  }
0x10: {  	s20 =	sld [smem:$0x3FDB];
	_ =	sdelay $0x1  }
0x11: {  	s4 =	simm.s32 $_scs_section_size  }
0x12: {  	s5 =	simm.s32 $_size__tile_overlayer_lowered;
	s6 =	simm.s32 $_tile_overlayer_lowered  }
0x13: {  	s23 =	simm.s32 $0x1BFF;
	s22 =	sshll.u32 s6, $0x1;
	s3 =	sadd.s32 s4, s20  }
0x14: {  	s7 =	simm.s32 $0x0;
	s21 =	sshll.u32 s5, $0x1;
	s5 =	sadd.s32 s22, s3  }
0x15: {  	[timem:s7], [sflag:s23] =	dma.local [hbm:s5], s21  }
0x16: {  	_ =	swait.ge [sflag:s23], s21  }
0x17: {  	s4 =	ssub.s32 $0x0, s21;
	[sflag:s23] =	ssyncset.done $0x0  }
0x18: {  	[sflag:s23] =	ssyncadd.s32 s4;
	_ =	sdelay $0x1  }
0x19: {  	s24 =	simm.s32 $0x1B8B  }
0x1a: {  	_ =	swait.ge [sflag:s24], $0x1  }
0x1b: {  	[sflag:s24] =	ssyncset.done $0x0  }
0x1c: {  	s26 =	simm.s32 $0x1B8E;
	s25 =	sld [smem:$0x3FFE];
	[sflag:s24] =	ssyncadd.s32 $0xFFFFFFFF  }
0x1d: {  	s27 =	simm.s32 $execute0_lowered;
	[smem:$0x3FD2] =	sst s26  }
0x1e: {  	s5 =	sshll.u32 s27, $0x1;
	_ =	strace $0x80000049;
	[dreg:$0x1] =	wrdreg $0xFFFFFFFF  }
0x1f: {  	s28 =	simm.s32 $_size_execute0_lowered;
	s3 =	sadd.s32 s3, s5;
	[dreg:$0x0] =	wrdreg $0x0  }
0x20: {  	s5 =	sshll.u32 s28, $0x1;
	[dreg:$0x2] =	wrdreg s3  }
0x21: {  	[dreg:$0x3] =	wrdreg s5  }
0x22: {  	[dreg:$0x4] =	wrdreg $0xC0  }
0x23: {  	_ =	task [dreg:s7], $0x5FFFF  }
0x24: {  	[dreg:$0x1] =	wrdreg $0xFFFFFFFF  }
0x25: {  	[dreg:$0x0] =	wrdreg $0x60  }
0x26: {  	[dreg:$0x2] =	wrdreg s25  }
0x27: {  	[dreg:$0x3] =	wrdreg s2  }
0x28: {  	[dreg:$0x4] =	wrdreg $0x9  }
0x29: {  	_ =	task.clear_ibuf [dreg:s7], $0x5FFFF;
	_ =	strace $0x90000049  }
0x2a: {  	s29 =	simm.s32 $0x9;
	_ =	strace $0x8000004B  }
0x2b: {  	_ =	swait.ge [sflag:s29], $0x1  }
0x2c: {  	[sflag:s29] =	ssyncadd.s32 $0xFFFFFFFF  }
0x2d: {  	_ =	strace $0x9000004B  }
0x2e: {  	_ =	sfence  }
0x2f: {  	s30 =	sld [smem:$0x0];
	_ =	sdelay $0x2  }
0x30: {  	s31 =	sshll.u32 s1, $0xD;
	s1 =	sshrl.u32 s1, $0x2  }
0x31: {  	s3 =	sand.u32 $0x4000, s31;
	s1 =	sadd.s32 s1, s30  }
0x32: {  	s0 =	sor.u32 s3, s0;
	s1 =	sshll.u32 s1, $0x11  }
0x33: {  	s0 =	sor.u32 s1, s0  }
0x34: {  	s0 =	sadd.s32 $0x8F2B, s0  }
0x35: {  	[sflag:s0] =	ssyncadd.remote.s32 $0x1  }
0x36: {  	_ =	sfence.sel $0xFFFF  }
0x37: {  	[dreg:$0x0] =	wrdreg $0xFFFFFFFF;
	(pc) =	sbr.abs _section_cstart, $3  }
0x38: {  	[dreg:$0x1] =	wrdreg $0xFFFFFFFF  }
0x39: {  	_ =	task.clear_ibuf [dreg:s7], $0x2FFFF;
	_ =	strace $0x9FFFFFFF  }
0x3a: {  	(tm) =	ssettm $0x7FFFFFFF  }
0x3b: {  	_ =	shalt  }
tec
execute0_lowered:
.L_overlay_start_1:
0x0: {  	(tag) =	ssettag $0x1  }
0x1: {  	s0 =	srdreg.scid  }
0x2: {  	s1 =	sshll.u32 s0, $0x4  }
0x3: {  	s4 =	rddreg [dreg:$0x0];
	s0 =	stileid.u32;
	s1 =	sand.u32 $0x10, s1  }
0x4: {  	s2 =	rddreg [dreg:$0x1];
	s7 =	simm.s32 $0x1;
	s1 =	sor.u32 s0, s1  }
0x5: {  	s8 =	simm.s32 $0x2;
	s11 =	simm.s32 $0x0;
	s3 =	sshll.u32 s1, $0x7  }
0x6: {  	s10 =	simm.s32 $0x0;
	s4 =	sadd.s32 $0xA00, s4;
	s6 =	ssub.s32 $0xC8000, s3  }
.Ltmp0:
0x7: {  	s1 =	rddreg [dreg:$0x2];
	s5 =	sand.u32 $0xF80, s6;
	(pc) =	sbr.rel .LBB1_1-.Ltmp0, $4  }
0x8: {  	_ =	strace $0x8000004A;
	s9 =	smov.u32 s3;
	p0 =	sne.s32 s5, $0x0  }
0x9: {  	s6 =	sshrl.u32 s6, $0xC;
	s5 =	simm.s32 $0x1;
	s7 =	simm.s32 @!p0 $0x0  }
0xa: {  	[sflag:s5] =	ssyncpa.u1 $0x0;
	p0 =	por $0x0, $0x0;
	s6 =	sadd.s32 s7, s6  }
0xb: {  	[sflag:s8] =	ssyncpa.u1 $0x0;
	s8 =	simm.s32 $0x640000;
	s7 =	sadd.s32 $0x1, s6  }
.LBB1_4:
0xc: {  	s14 =	sshll.u32 s11, $0x3  }
0xd: {  	s30 =	sand.u32 $0x7F, s11;
	s15 =	sand.u32 $0xFFFFFC00, s14  }
0xe: {  	s11 =	sor.u32 s30, s15  }
0xf: {  	s15 =	smulhi.u32 $0x51EB851F, s11  }
0x10: {  	s14 =	smulhi.u32 $0x51EB851F, s14  }
0x11: {  	s15 =	sshrl.u32 s15, $0x12  }
0x12: {  	s14 =	sshrl.u32 s14, $0x12;
	s15 =	smul.u32 $0xC8000, s15  }
0x13: {  	s14 =	sand.u32 $0x3F, s14  }
0x14: {  	s14 =	smul.u32 $0x19000, s14;
	s11 =	ssub.s32 s11, s15  }
0x15: {  	[tilespmem:s13+$0x810 ss:$0x81] =	vst.msk $0xffff, v2;
	s15 =	sand.u32 $0x7, s11  }
0x16: {  	[tilespmem:s13+$0x1020 ss:$0x81] =	vst.msk $0xffff, v0;
	s14 =	sadd.s32 s2, s14;
	s11 =	sshrl.u32 s11, $0x3;
	s15 =	sshll.u32 s15, $0x12  }
0x17: {  	[tilespmem:s13+$0x0 ss:$0x81] =	vst.msk $0xffff, v1;
	s11 =	sadd.s32 s11, s14;
	s31 =	sor.u32 $0x400, s15  }
0x18: {  	[hbm4b:s11+s31] =	stream.strided.scatter [tilespmem:s12], [sflag:$0x2], $0x2000, s8, s31, $0x20;
	[tilespmem:$0x8080] =	vst v63  }
.LBB1_5:
0x19: {  	s13 =	sadd.s32 $0x1000, s9  }
0x1a: {  	p2 =	sgt.s32 s13, $0xC7FFF  }
0x1b: {  	s13 =	smov.u32 @p2 s3;
	p2 =	sne.s32 s10, s7  }
.Ltmp1:
0x1c: {  	p1 =	slt.u32 s10, $0x2;
	(pc) =	sbr.rel @!p2 .LBB1_6-.Ltmp1, $4  }
0x1d: {  	s12 =	simm.s32 @!p1 $0x2  }
0x1e: {  	s14 =	sadd.s32 $0x1, s10;
	_ =	swait.ge @!p1 [sflag:s12], $0x2000  }
0x1f: {  	s11 =	smov.u32 s9;
	p0 =	por !p0, !p0;
	[sflag:s12] =	ssyncset.done @!p1 $0x0  }
0x20: {  	s10 =	smov.u32 s14;
	s9 =	smov.u32 s13;
	[sflag:s12] =	ssyncadd.s32 @!p1 $0xFFFFE000  }
.LBB1_1:
0x21: {  	p1 =	sge.u32 s10, s6  }
0x22: {  	s12 =	sand.u32 @!p1 $0x1FFFFFF, s9  }
0x23: {  	s13 =	smulhi.u32 @!p1 $0x147AE15, s12;
	_ =	sdelay $0x1  }
0x24: {  	s13 =	sshrl.u32 @!p1 s13, $0xC  }
0x25: {  	s13 =	smul.u32 @!p1 $0xC8000, s13;
	_ =	sdelay $0x1  }
0x26: {  	s31 =	sadd.s32 $0xFFFFFFFF, s10;
	s14 =	sxor.u32 @!p1 $0xFFFFFFFF, s10;
	s12 =	ssub.s32 @!p1 s12, s13  }
0x27: {  	s15 =	simm.s32 @!p1 $0x80;
	s14 =	sshll.u32 @!p1 s14, $0xD;
	s12 =	sshll.u32 @!p1 s12, $0x4  }
0x28: {  	s13 =	sand.u32 @!p1 $0x2000, s14;
	s14 =	simm.s32 @!p1 $0x40;
	s12 =	sadd.s32 @!p1 s4, s12  }
0x29: {  	[tilespmem:s13], [sflag:$0x1] =	stream.strided.gather @!p1 [hbm4b:s12+s14], $0x2000, s15, s14, $0x38;
	[tilespmem:$0x8080] =	vst v63  }
0x2a: {  	p1 =	sge.u32 s31, s6  }
.Ltmp2:
0x2b: {  	_ = 	snop;
	(pc) =	sbr.rel @p1 .LBB1_5-.Ltmp2, $1  }
0x2c: {  	_ =	sdelay $0x3  }
0x2d: {  	s12 =	simm.s32 $0x1  }
0x2e: {  	_ =	swait.ge [sflag:s5], $0x2000;
	s12 =	simm.s32 @!p0 $0x0  }
0x2f: {  	[sflag:s5] =	ssyncset.done $0x0;
	s13 =	sshll.u32 s12, $0xD  }
0x30: {  	[sflag:s5] =	ssyncadd.s32 $0xFFFFE000;
	s16 =	sor.u32 $0x20, s13  }
0x31: {  	s12 =	smul.u32 $0x8100, s12;
	v3 =	vld [tilespmem:s16+$0x10]  }
0x32: {  	s30 =	sand.u32 $0x1, s10;
	v2 =	vld [tilespmem:s16+$0xFFFFFFF0]  }
0x33: {  	s13 =	smul.u32 $0x8100, s30;
	s12 =	sshrl.u32 s12, $0x2;
	v0 =	vld [tilespmem:s16+$0x0]  }
0x34: {  	v1 =	vld [tilespmem:s16+$0xFFFFFFE0];
	s14 =	sor.u32 $0x4000, s12  }
0x35: {  	s31 =	sshrl.u32 s13, $0x2;
	s13 =	sadd.s32 $0x0, s14  }
0x36: {  	s15 =	simm.s32 $0x4;
	s16 =	sadd.s32 $0x40, s16;
	s12 =	sor.u32 $0x4000, s31;
	[tilespmem:s13+$0x1830 ss:$0x81] =	vst.msk $0xffff, v3  }
.LBB1_3:
0x37: {  	v3 =	vld [tilespmem:s16+$0x10];
	p1 =	sne.s32 s15, $0x1FC;
	[tilespmem:s13+$0x810 ss:$0x81] =	vst.msk $0xffff, v2;
	s17 =	smov.u32 s15;
	s15 =	sadd.s32 $0x4, s15  }
.Ltmp3:
0x38: {  	v2 =	vld [tilespmem:s16+$0xFFFFFFF0];
	[tilespmem:s13+$0x1020 ss:$0x81] =	vst.msk $0xffff, v0;
	(pc) =	sbr.rel @p1 .LBB1_3-.Ltmp3, $4  }
0x39: {  	v0 =	vld [tilespmem:s16+$0x0];
	[tilespmem:s13+$0x0 ss:$0x81] =	vst.msk $0xffff, v1  }
0x3a: {  	s13 =	sshra.s32 s17, $0x2;
	v1 =	vld [tilespmem:s16+$0xFFFFFFE0]  }
0x3b: {  	s13 =	sadd.s32 s13, s14  }
0x3c: {  	s16 =	sadd.s32 $0x40, s16;
	[tilespmem:s13+$0x1830 ss:$0x81] =	vst.msk $0xffff, v3  }
.Ltmp4:
0x3d: {  	_ = 	snop;
	(pc) =	sbr.rel .LBB1_4-.Ltmp4, $1  }
0x3e: {  	_ =	sdelay $0x3  }
.LBB1_6:
0x3f: {  	_ =	sfence.sel $0x180000  }
0x40: {  	s2 =	simm.s32 $0x1;
	[bflag:$0x0] =	sbarrier.arrive $0xFFFF  }
0x41: {  	s31 =	simm.s32 $0x2;
	[sflag:s2] =	ssyncpa.u1 $0x1  }
0x42: {  	[sflag:s31] =	ssyncpa.u1 $0x1  }
0x43: {  	p0 =	sne.s32 s0, $0x0;
	_ =	strace $0x9000004A  }
0x44: {  	s0 =	sadd.s32 @!p0 $0x100000, s1;
	[bflag:$0x2] =	sbarrier.arrive $0xFFFF  }
0x45: {  	[sflag:s0] =	ssyncadd.tile.s32 @!p0 $0x1;
	_ =	shalt  }
.Lfunc_end1:
_tile_overlayer_lowered:
.L_overlay_start_2:
0x46: {  	(tag) =	ssettag $0x2  }
0x47: {  	s0 =	rddreg [dreg:$0x0];
	s2 =	stileid.u32  }
0x48: {  	s1 =	rddreg [dreg:$0x1];
	p0 =	sne.s32 s2, $0x0  }
0x49: {  	s3 =	rddreg [dreg:$0x2];
	[bflag:$0x3] =	sbarrier.arrive $0xFFFF;
	s2 =	simm.s32 @!p0 $0x1C01  }
0x4a: {  	[timem:s3], [sflag:s2] =	dma.local @!p0 [hbm:s0], s1  }
0x4b: {  	s0 =	simm.s32 @!p0 $0x1  }
0x4c: {  	_ =	swait.ge @!p0 [sflag:s0], s1  }
0x4d: {  	s1 =	ssub.s32 @!p0 $0x0, s1;
	[sflag:s0] =	ssyncset.done @!p0 $0x0  }
0x4e: {  	[sflag:s0] =	ssyncadd.s32 @!p0 s1  }
0x4f: {  	[bflag:$0x3] =	sbarrier.arrive $0xFFFF  }
0x50: {  	_ =	shalt  }

</sc_bundles>
